<compile_context>
chip_gen: v7x
topology: tpu7x:2x2x1
jax: 0.10.2.dev20260603
libtpu: 0.0.44.dev20260713+nightly
codegen_flags: <defaults>
</compile_context>

<pallas_src>
import functools

import jax
import jax.numpy as jnp
from jax import lax
from jax.experimental import pallas as pl
from jax.experimental.pallas import tpu as pltpu
from jax.experimental.pallas import tpu_sc as plsc

N = 10000
D = 256
DH = 128
E = 160000
NUM_LAYERS = 5
NC = 2
NS = 16

CHUNK = 80
EPS = E // NS
NCHUNK = EPS // CHUNK
NP = 10240
RPS = NP // NS

EPC = E // NC
DPS = EPC // NS
DCHUNK = 40
DNCHUNK = DPS // DCHUNK
CW = 128

BN = 2000

_MESH = plsc.VectorSubcoreMesh(core_axis_name="c", subcore_axis_name="s")


def _deg_counts(dst):
    ones = jnp.ones((DCHUNK, CW), jnp.float32)
    zeros = jnp.zeros((RPS, CW), jnp.float32)

    @functools.partial(
        pl.kernel,
        mesh=_MESH,
        out_type=jax.ShapeDtypeStruct((NC, NP, CW), jnp.float32),
        scratch_types=[
            pltpu.VMEM((DCHUNK,), jnp.int32),
            pltpu.VMEM((DCHUNK, CW), jnp.float32),
            pltpu.VMEM_SHARED((NP, CW), jnp.float32),
            pltpu.SemaphoreType.DMA,
        ],
    )
    def k(dst_hbm, ones_hbm, zeros_hbm, cnt_hbm, idx_v, ones_v, acc_sh, sem):
        c = lax.axis_index("c")
        s = lax.axis_index("s")
        row = pl.ds(s * RPS, RPS)
        pltpu.sync_copy(zeros_hbm, acc_sh.at[row])
        pltpu.sync_copy(ones_hbm, ones_v)
        plsc.subcore_barrier()
        base = c * EPC + s * DPS

        @pl.loop(0, DNCHUNK)
        def _(g):
            pltpu.sync_copy(dst_hbm.at[pl.ds(base + g * DCHUNK, DCHUNK)],
                            idx_v)
            pltpu.sync_copy(ones_v, acc_sh.at[idx_v], add=True)

        plsc.subcore_barrier()
        pltpu.sync_copy(acc_sh.at[row], cnt_hbm.at[c, row])

    return k(dst, ones, zeros)


def _aggregate(h2s, sidx, dst):
    zeros = jnp.zeros((RPS, DH), jnp.float32)

    @functools.partial(
        pl.kernel,
        mesh=_MESH,
        out_type=jax.ShapeDtypeStruct((NC, NP, DH), jnp.float32),
        scratch_types=[
            pltpu.VMEM((CHUNK,), jnp.int32),
            pltpu.VMEM((CHUNK,), jnp.int32),
            pltpu.VMEM((CHUNK, DH), jnp.float32),
            pltpu.VMEM_SHARED((NP, DH), jnp.float32),
            pltpu.SemaphoreType.DMA,
        ],
    )
    def k(h2s_hbm, sidx_hbm, dst_hbm, zeros_hbm, out_hbm,
          src_v, dst_v, rows_v, acc_sh, sem):
        c = lax.axis_index("c")
        s = lax.axis_index("s")
        row = pl.ds(s * RPS, RPS)
        pltpu.sync_copy(zeros_hbm, acc_sh.at[row])
        plsc.subcore_barrier()
        base = c * E + s * EPS

        @pl.loop(0, NCHUNK)
        def _(g):
            off = base + g * CHUNK
            pltpu.sync_copy(sidx_hbm.at[pl.ds(off, CHUNK)], src_v)
            pltpu.sync_copy(dst_hbm.at[pl.ds(s * EPS + g * CHUNK, CHUNK)],
                            dst_v)
            pltpu.async_copy(h2s_hbm.at[src_v], rows_v, sem).wait()
            pltpu.sync_copy(rows_v, acc_sh.at[dst_v], add=True)

        plsc.subcore_barrier()
        pltpu.sync_copy(acc_sh.at[row], out_hbm.at[c, row])

    return k(h2s, sidx, dst, zeros)


def _matmul_first(x, W, cnt):
    def body(x_r, w_r, c_r, o, dv_o):
        h = lax.dot_general(x_r[...], w_r[...], (((1,), (0,)), ((), ())),
                            precision=lax.Precision.HIGHEST,
                            preferred_element_type=jnp.float32)
        dv = lax.rsqrt(c_r[0] + c_r[1] + 1.0)
        dv_o[...] = dv
        o[0] = h[:, :DH] * dv
        o[1] = h[:, DH:] * dv

    return pl.pallas_call(
        body,
        grid=(N // BN,),
        in_specs=[pl.BlockSpec((BN, D), lambda i: (i, 0)),
                  pl.BlockSpec((D, D), lambda i: (0, 0)),
                  pl.BlockSpec((NC, BN, CW), lambda i: (0, i, 0))],
        out_specs=[pl.BlockSpec((NC, BN, DH), lambda i: (0, i, 0)),
                   pl.BlockSpec((BN, CW), lambda i: (i, 0))],
        out_shape=[jax.ShapeDtypeStruct((NC, N, DH), jnp.float32),
                   jax.ShapeDtypeStruct((N, CW), jnp.float32)],
    )(x, W, cnt)


def _matmul_mid(acc, h2, dinv, b_prev, W):
    def body(a_r, h_r, dv_r, b_r, w_r, o):
        dv = dv_r[...]
        za = dv * (a_r[0] + h_r[0]) + b_r[:, :DH]
        zb = dv * (a_r[1] + h_r[1]) + b_r[:, DH:]
        z = jnp.maximum(jnp.concatenate([za, zb], axis=1), 0.0)
        h = lax.dot_general(z, w_r[...], (((1,), (0,)), ((), ())),
                            precision=lax.Precision.HIGHEST,
                            preferred_element_type=jnp.float32)
        o[0] = h[:, :DH] * dv
        o[1] = h[:, DH:] * dv

    return pl.pallas_call(
        body,
        grid=(N // BN,),
        in_specs=[pl.BlockSpec((NC, BN, DH), lambda i: (0, i, 0)),
                  pl.BlockSpec((NC, BN, DH), lambda i: (0, i, 0)),
                  pl.BlockSpec((BN, CW), lambda i: (i, 0)),
                  pl.BlockSpec((1, D), lambda i: (0, 0)),
                  pl.BlockSpec((D, D), lambda i: (0, 0))],
        out_specs=pl.BlockSpec((NC, BN, DH), lambda i: (0, i, 0)),
        out_shape=jax.ShapeDtypeStruct((NC, N, DH), jnp.float32),
    )(acc, h2, dinv, b_prev, W)


def _epilogue_last(acc, h2, dinv, b):
    def body(a_r, h_r, dv_r, b_r, o):
        dv = dv_r[...]
        oa = dv * (a_r[0] + h_r[0]) + b_r[:, :DH]
        ob = dv * (a_r[1] + h_r[1]) + b_r[:, DH:]
        o[...] = jnp.concatenate([oa, ob], axis=1)

    return pl.pallas_call(
        body,
        grid=(N // BN,),
        in_specs=[pl.BlockSpec((NC, BN, DH), lambda i: (0, i, 0)),
                  pl.BlockSpec((NC, BN, DH), lambda i: (0, i, 0)),
                  pl.BlockSpec((BN, CW), lambda i: (i, 0)),
                  pl.BlockSpec((1, D), lambda i: (0, 0))],
        out_specs=pl.BlockSpec((BN, D), lambda i: (i, 0)),
        out_shape=jax.ShapeDtypeStruct((N, D), jnp.float32),
    )(acc, h2, dinv, b)


def kernel(x, edge_index, W0, b0, W1, b1, W2, b2, W3, b3, W4, b4):
    src = edge_index[0]
    dst = edge_index[1]
    sidx = jnp.concatenate([src, src + N])
    Ws = [W0, W1, W2, W3, W4]
    bs = [b.reshape(1, D) for b in (b0, b1, b2, b3, b4)]

    cnt = _deg_counts(dst)
    h2, dinv = _matmul_first(x, Ws[0], cnt)
    for i in range(1, NUM_LAYERS):
        acc = _aggregate(h2.reshape(NC * N, DH), sidx, dst)
        h2 = _matmul_mid(acc, h2, dinv, bs[i - 1], Ws[i])
    acc = _aggregate(h2.reshape(NC * N, DH), sidx, dst)
    return _epilogue_last(acc, h2, dinv, bs[-1])

# --- scband reference (transcript-rebuilt; emitter-appended) ---
"""Pipeline reference for scband-gcn-2241972928673 (READ-ONLY COPY).

The authoritative reference and input builder live on the scoring server;
editing this copy changes nothing except your own understanding.
"""

import jax, jax.numpy as jnp
import numpy as np

N = 10000
E = 160000
D_IN = 256
D_HID = 256
D_OUT = 256
NUM_LAYERS = 5


def setup_inputs(seed: int = 0) -> dict:
    key = jax.random.key(seed)
    ks = jax.random.split(key, 2 + 2 * NUM_LAYERS)
    inp = {}
    inp['x'] = jax.random.normal(ks[0], (N, D_IN), dtype=jnp.float32)
    inp['edge_index'] = jax.random.randint(ks[1], (2, E), 0, N, dtype=jnp.int32)
    dims = [D_IN] + [D_HID] * (NUM_LAYERS - 1) + [D_OUT]
    for i in range(NUM_LAYERS):
        fan_in = dims[i]
        inp[f'W{i}'] = jax.random.normal(ks[2 + 2 * i], (dims[i], dims[i + 1]), dtype=jnp.float32) * (1.0 / np.sqrt(fan_in))
        inp[f'b{i}'] = jnp.zeros((dims[i + 1],), dtype=jnp.float32)
    return inp


def gcn_conv(x, src, dst, W, b, n):
    # GCNConv: linear transform, add self-loops, symmetric normalization, scatter-add aggregation
    h = x @ W
    loops = jnp.arange(n, dtype=src.dtype)
    s = jnp.concatenate([src, loops])
    d = jnp.concatenate([dst, loops])
    deg = jax.ops.segment_sum(jnp.ones(s.shape[0], dtype=x.dtype), d, num_segments=n)
    dinv = jnp.where(deg > 0, jax.lax.rsqrt(jnp.maximum(deg, 1e-12)), 0.0)
    norm = dinv[s] * dinv[d]
    msg = h[s] * norm[:, None]
    out = jax.ops.segment_sum(msg, d, num_segments=n)
    return out + b


def reference(x, edge_index, W0, b0, W1, b1, W2, b2, W3, b3, W4, b4):
    # eval mode: dropout is identity; activation = relu (torch.relu default)
    src = edge_index[0]
    dst = edge_index[1]
    Ws = [W0, W1, W2, W3, W4]
    bs = [b0, b1, b2, b3, b4]
    h = x
    for i in range(NUM_LAYERS - 1):
        h = gcn_conv(h, src, dst, Ws[i], bs[i], N)
        h = jax.nn.relu(h)
    h = gcn_conv(h, src, dst, Ws[-1], bs[-1], N)
    return h

if __name__ == "__main__":
    import jax
    _d = setup_inputs()
    print(jax.jit(kernel)(*tuple(_d.values())))

</pallas_src>

<mosaic_0001>
#map = affine_map<(d0, d1) -> (0)>
#map1 = affine_map<(d0, d1) -> (0, 0)>
#map2 = affine_map<(d0, d1) -> (0, 0, 0)>
module attributes {stable_mosaic.version = 14 : i64} {
  func.func @k(%arg0: i32, %arg1: i32, %arg2: memref<160000xi32, #tpu.memory_space<hbm>>, %arg3: memref<40x128xf32, #tpu.memory_space<hbm>>, %arg4: memref<640x128xf32, #tpu.memory_space<hbm>>, %arg5: memref<2x10240x128xf32, #tpu.memory_space<hbm>>, %arg6: memref<40xi32, #tpu.memory_space<vmem>>, %arg7: memref<40x128xf32, #tpu.memory_space<vmem>>, %arg8: memref<10240x128xf32, #tpu.memory_space<vmem_shared>>, %arg9: memref<!tpu.dma_semaphore, #tpu.memory_space<semaphore_mem>>) attributes {dimension_semantics = [#tpu.dimension_semantics<core_parallel>, #tpu.dimension_semantics<subcore_parallel>], iteration_bounds = array<i64: 2, 16>, scalar_prefetch = 0 : i64, scratch_operands = 4 : i64, tpu.core_type = #tpu.core_type<sc_vector_subcore>, window_params = [{transform_indices = #map}, {transform_indices = #map1}, {transform_indices = #map1}, {transform_indices = #map2}]} {
    %mul3A = arith.constant 640 : i32
    %mul3A_0 = arith.muli %arg1, %mul3A : i32
    "tpu.region"() ({
      %run_scoped3A = tpu.sem_alloc : memref<!tpu.dma_semaphore, #tpu.memory_space<semaphore_mem>>
      %dma_start3A = arith.constant 0 : i32
      %dma_start3A_10 = tpu.memref_slice %arg8[%mul3A_0, %dma_start3A] : memref<10240x128xf32, #tpu.memory_space<vmem_shared>> -> memref<640x128xf32, #tpu.memory_space<vmem_shared>>
      tpu.enqueue_dma source(%arg4 : memref<640x128xf32, #tpu.memory_space<hbm>>) target(%dma_start3A_10 : memref<640x128xf32, #tpu.memory_space<vmem_shared>>) target_semaphore(%run_scoped3A : memref<!tpu.dma_semaphore, #tpu.memory_space<semaphore_mem>>)
      %dma_wait3A = arith.constant 0 : i32
      %dma_wait3A_11 = tpu.memref_slice %arg8[%mul3A_0, %dma_wait3A] : memref<10240x128xf32, #tpu.memory_space<vmem_shared>> -> memref<640x128xf32, #tpu.memory_space<vmem_shared>>
      tpu.wait_dma2 semaphore(%run_scoped3A : memref<!tpu.dma_semaphore, #tpu.memory_space<semaphore_mem>>) src(%arg4 : memref<640x128xf32, #tpu.memory_space<hbm>>) dst(%dma_wait3A_11 : memref<640x128xf32, #tpu.memory_space<vmem_shared>>)
      tpu.yield
    }) : () -> ()
    "tpu.region"() ({
      %run_scoped3A = tpu.sem_alloc : memref<!tpu.dma_semaphore, #tpu.memory_space<semaphore_mem>>
      tpu.enqueue_dma source(%arg3 : memref<40x128xf32, #tpu.memory_space<hbm>>) target(%arg7 : memref<40x128xf32, #tpu.memory_space<vmem>>) target_semaphore(%run_scoped3A : memref<!tpu.dma_semaphore, #tpu.memory_space<semaphore_mem>>)
      tpu.wait_dma2 semaphore(%run_scoped3A : memref<!tpu.dma_semaphore, #tpu.memory_space<semaphore_mem>>) src(%arg3 : memref<40x128xf32, #tpu.memory_space<hbm>>) dst(%arg7 : memref<40x128xf32, #tpu.memory_space<vmem>>)
      tpu.yield
    }) : () -> ()
    %barrier3A = arith.constant 0 : index
    tpu.barrier barrier_id(%barrier3A)
    %mul3A_1 = arith.constant 80000 : i32
    %mul3A_2 = arith.muli %arg0, %mul3A_1 : i32
    %mul3A_3 = arith.constant 5000 : i32
    %mul3A_4 = arith.muli %arg1, %mul3A_3 : i32
    %add3A = arith.addi %mul3A_2, %mul3A_4 : i32
    %scan3A = arith.constant 0 : i32
    %scan3A_5 = arith.constant 125 : i32
    %scan3A_6 = arith.addi %scan3A, %scan3A_5 : i32
    %scan3A_7 = arith.constant 1 : i32
    scf.for %scan3A_10 = %scan3A to %scan3A_6 step %scan3A_7  : i32 {
      %mul3A_11 = arith.constant 1 : i32
      %mul3A_12 = arith.muli %scan3A_10, %mul3A_11 : i32
      %add3A_13 = arith.constant 0 : i32
      %add3A_14 = arith.addi %add3A_13, %mul3A_12 : i32
      %mul3A_15 = arith.constant 40 : i32
      %mul3A_16 = arith.muli %add3A_14, %mul3A_15 : i32
      %add3A_17 = arith.addi %add3A, %mul3A_16 : i32
      "tpu.region"() ({
        %run_scoped3A = tpu.sem_alloc : memref<!tpu.dma_semaphore, #tpu.memory_space<semaphore_mem>>
        %dma_start3A = tpu.memref_slice %arg2[%add3A_17] : memref<160000xi32, #tpu.memory_space<hbm>> -> memref<40xi32, #tpu.memory_space<hbm>>
        %dma_start3A_18 = tpu.memref_slice %arg2[%add3A_17] : memref<160000xi32, #tpu.memory_space<hbm>> -> memref<40xi32, #tpu.memory_space<hbm>>
        tpu.enqueue_dma source(%dma_start3A_18 : memref<40xi32, #tpu.memory_space<hbm>>) target(%arg6 : memref<40xi32, #tpu.memory_space<vmem>>) target_semaphore(%run_scoped3A : memref<!tpu.dma_semaphore, #tpu.memory_space<semaphore_mem>>)
        %dma_wait3A = tpu.memref_slice %arg2[%add3A_17] : memref<160000xi32, #tpu.memory_space<hbm>> -> memref<40xi32, #tpu.memory_space<hbm>>
        %dma_wait3A_19 = tpu.memref_slice %arg2[%add3A_17] : memref<160000xi32, #tpu.memory_space<hbm>> -> memref<40xi32, #tpu.memory_space<hbm>>
        tpu.wait_dma2 semaphore(%run_scoped3A : memref<!tpu.dma_semaphore, #tpu.memory_space<semaphore_mem>>) src(%dma_wait3A_19 : memref<40xi32, #tpu.memory_space<hbm>>) dst(%arg6 : memref<40xi32, #tpu.memory_space<vmem>>)
        tpu.yield
      }) : () -> ()
      "tpu.region"() ({
        %run_scoped3A = tpu.sem_alloc : memref<!tpu.dma_semaphore, #tpu.memory_space<semaphore_mem>>
        %dma_start3A = arith.constant 0 : i32
        %dma_start3A_18 = arith.constant 0 : i32
        %dma_start3A_19 = tpu.memref_slice %arg8[%dma_start3A, %dma_start3A_18] : memref<10240x128xf32, #tpu.memory_space<vmem_shared>> -> memref<10240x128xf32, #tpu.memory_space<vmem_shared>>
        tpu.enqueue_indirect_dma source(%arg7 : memref<40x128xf32, #tpu.memory_space<vmem>>) target(%dma_start3A_19 : memref<10240x128xf32, #tpu.memory_space<vmem_shared>>) offsets(%arg6 : memref<40xi32, #tpu.memory_space<vmem>>) semaphore(%run_scoped3A : memref<!tpu.dma_semaphore, #tpu.memory_space<semaphore_mem>>) {add = true}
        %dma_wait3A = arith.constant 0 : i32
        %dma_wait3A_20 = arith.constant 0 : i32
        %dma_wait3A_21 = tpu.memref_slice %arg8[%dma_wait3A, %dma_wait3A_20] : memref<10240x128xf32, #tpu.memory_space<vmem_shared>> -> memref<10240x128xf32, #tpu.memory_space<vmem_shared>>
        tpu.wait_indirect_dma semaphore(%run_scoped3A : memref<!tpu.dma_semaphore, #tpu.memory_space<semaphore_mem>>) src(%arg7 : memref<40x128xf32, #tpu.memory_space<vmem>>) dst(%dma_wait3A_21 : memref<10240x128xf32, #tpu.memory_space<vmem_shared>>)
        tpu.yield
      }) : () -> ()
    }
    %scan3A_8 = arith.constant 125 : i32
    %barrier3A_9 = arith.constant 0 : index
    tpu.barrier barrier_id(%barrier3A_9)
    "tpu.region"() ({
      %run_scoped3A = tpu.sem_alloc : memref<!tpu.dma_semaphore, #tpu.memory_space<semaphore_mem>>
      %dma_start3A = arith.constant 0 : i32
      %dma_start3A_10 = tpu.memref_slice %arg5[%arg0, %mul3A_0, %dma_start3A] : memref<2x10240x128xf32, #tpu.memory_space<hbm>> -> memref<1x640x128xf32, #tpu.memory_space<hbm>>
      %dma_start3A_11 = tpu.memref_squeeze %dma_start3A_10 : memref<1x640x128xf32, #tpu.memory_space<hbm>> -> memref<640x128xf32, #tpu.memory_space<hbm>>
      %dma_start3A_12 = arith.constant 0 : i32
      %dma_start3A_13 = tpu.memref_slice %arg8[%mul3A_0, %dma_start3A_12] : memref<10240x128xf32, #tpu.memory_space<vmem_shared>> -> memref<640x128xf32, #tpu.memory_space<vmem_shared>>
      tpu.enqueue_dma source(%dma_start3A_13 : memref<640x128xf32, #tpu.memory_space<vmem_shared>>) target(%dma_start3A_11 : memref<640x128xf32, #tpu.memory_space<hbm>>) target_semaphore(%run_scoped3A : memref<!tpu.dma_semaphore, #tpu.memory_space<semaphore_mem>>)
      %dma_wait3A = arith.constant 0 : i32
      %dma_wait3A_14 = tpu.memref_slice %arg5[%arg0, %mul3A_0, %dma_wait3A] : memref<2x10240x128xf32, #tpu.memory_space<hbm>> -> memref<1x640x128xf32, #tpu.memory_space<hbm>>
      %dma_wait3A_15 = tpu.memref_squeeze %dma_wait3A_14 : memref<1x640x128xf32, #tpu.memory_space<hbm>> -> memref<640x128xf32, #tpu.memory_space<hbm>>
      %dma_wait3A_16 = arith.constant 0 : i32
      %dma_wait3A_17 = tpu.memref_slice %arg8[%mul3A_0, %dma_wait3A_16] : memref<10240x128xf32, #tpu.memory_space<vmem_shared>> -> memref<640x128xf32, #tpu.memory_space<vmem_shared>>
      tpu.wait_dma2 semaphore(%run_scoped3A : memref<!tpu.dma_semaphore, #tpu.memory_space<semaphore_mem>>) src(%dma_wait3A_17 : memref<640x128xf32, #tpu.memory_space<vmem_shared>>) dst(%dma_wait3A_15 : memref<640x128xf32, #tpu.memory_space<hbm>>)
      tpu.yield
    }) : () -> ()
    return
  }
}

#map = affine_map<(d0, d1) -> (0, 0)>
#map1 = affine_map<(d0, d1) -> (0)>
#map2 = affine_map<(d0, d1) -> (0, 0, 0)>
module attributes {stable_mosaic.version = 14 : i64} {
  func.func @k(%arg0: i32, %arg1: i32, %arg2: memref<20000x128xf32, #tpu.memory_space<hbm>>, %arg3: memref<320000xi32, #tpu.memory_space<hbm>>, %arg4: memref<160000xi32, #tpu.memory_space<hbm>>, %arg5: memref<640x128xf32, #tpu.memory_space<hbm>>, %arg6: memref<2x10240x128xf32, #tpu.memory_space<hbm>>, %arg7: memref<80xi32, #tpu.memory_space<vmem>>, %arg8: memref<80xi32, #tpu.memory_space<vmem>>, %arg9: memref<80x128xf32, #tpu.memory_space<vmem>>, %arg10: memref<10240x128xf32, #tpu.memory_space<vmem_shared>>, %arg11: memref<!tpu.dma_semaphore, #tpu.memory_space<semaphore_mem>>) attributes {dimension_semantics = [#tpu.dimension_semantics<core_parallel>, #tpu.dimension_semantics<subcore_parallel>], iteration_bounds = array<i64: 2, 16>, scalar_prefetch = 0 : i64, scratch_operands = 5 : i64, tpu.core_type = #tpu.core_type<sc_vector_subcore>, window_params = [{transform_indices = #map}, {transform_indices = #map1}, {transform_indices = #map1}, {transform_indices = #map}, {transform_indices = #map2}]} {
    %mul3A = arith.constant 640 : i32
    %mul3A_0 = arith.muli %arg1, %mul3A : i32
    "tpu.region"() ({
      %run_scoped3A = tpu.sem_alloc : memref<!tpu.dma_semaphore, #tpu.memory_space<semaphore_mem>>
      %dma_start3A = arith.constant 0 : i32
      %dma_start3A_10 = tpu.memref_slice %arg10[%mul3A_0, %dma_start3A] : memref<10240x128xf32, #tpu.memory_space<vmem_shared>> -> memref<640x128xf32, #tpu.memory_space<vmem_shared>>
      tpu.enqueue_dma source(%arg5 : memref<640x128xf32, #tpu.memory_space<hbm>>) target(%dma_start3A_10 : memref<640x128xf32, #tpu.memory_space<vmem_shared>>) target_semaphore(%run_scoped3A : memref<!tpu.dma_semaphore, #tpu.memory_space<semaphore_mem>>)
      %dma_wait3A = arith.constant 0 : i32
      %dma_wait3A_11 = tpu.memref_slice %arg10[%mul3A_0, %dma_wait3A] : memref<10240x128xf32, #tpu.memory_space<vmem_shared>> -> memref<640x128xf32, #tpu.memory_space<vmem_shared>>
      tpu.wait_dma2 semaphore(%run_scoped3A : memref<!tpu.dma_semaphore, #tpu.memory_space<semaphore_mem>>) src(%arg5 : memref<640x128xf32, #tpu.memory_space<hbm>>) dst(%dma_wait3A_11 : memref<640x128xf32, #tpu.memory_space<vmem_shared>>)
      tpu.yield
    }) : () -> ()
    %barrier3A = arith.constant 0 : index
    tpu.barrier barrier_id(%barrier3A)
    %mul3A_1 = arith.constant 160000 : i32
    %mul3A_2 = arith.muli %arg0, %mul3A_1 : i32
    %mul3A_3 = arith.constant 10000 : i32
    %mul3A_4 = arith.muli %arg1, %mul3A_3 : i32
    %add3A = arith.addi %mul3A_2, %mul3A_4 : i32
    %scan3A = arith.constant 0 : i32
    %scan3A_5 = arith.constant 125 : i32
    %scan3A_6 = arith.addi %scan3A, %scan3A_5 : i32
    %scan3A_7 = arith.constant 1 : i32
    scf.for %scan3A_10 = %scan3A to %scan3A_6 step %scan3A_7  : i32 {
      %mul3A_11 = arith.constant 1 : i32
      %mul3A_12 = arith.muli %scan3A_10, %mul3A_11 : i32
      %add3A_13 = arith.constant 0 : i32
      %add3A_14 = arith.addi %add3A_13, %mul3A_12 : i32
      %mul3A_15 = arith.constant 80 : i32
      %mul3A_16 = arith.muli %add3A_14, %mul3A_15 : i32
      %add3A_17 = arith.addi %add3A, %mul3A_16 : i32
      "tpu.region"() ({
        %run_scoped3A = tpu.sem_alloc : memref<!tpu.dma_semaphore, #tpu.memory_space<semaphore_mem>>
        %dma_start3A_27 = tpu.memref_slice %arg3[%add3A_17] : memref<320000xi32, #tpu.memory_space<hbm>> -> memref<80xi32, #tpu.memory_space<hbm>>
        %dma_start3A_28 = tpu.memref_slice %arg3[%add3A_17] : memref<320000xi32, #tpu.memory_space<hbm>> -> memref<80xi32, #tpu.memory_space<hbm>>
        tpu.enqueue_dma source(%dma_start3A_28 : memref<80xi32, #tpu.memory_space<hbm>>) target(%arg7 : memref<80xi32, #tpu.memory_space<vmem>>) target_semaphore(%run_scoped3A : memref<!tpu.dma_semaphore, #tpu.memory_space<semaphore_mem>>)
        %dma_wait3A_29 = tpu.memref_slice %arg3[%add3A_17] : memref<320000xi32, #tpu.memory_space<hbm>> -> memref<80xi32, #tpu.memory_space<hbm>>
        %dma_wait3A_30 = tpu.memref_slice %arg3[%add3A_17] : memref<320000xi32, #tpu.memory_space<hbm>> -> memref<80xi32, #tpu.memory_space<hbm>>
        tpu.wait_dma2 semaphore(%run_scoped3A : memref<!tpu.dma_semaphore, #tpu.memory_space<semaphore_mem>>) src(%dma_wait3A_30 : memref<80xi32, #tpu.memory_space<hbm>>) dst(%arg7 : memref<80xi32, #tpu.memory_space<vmem>>)
        tpu.yield
      }) : () -> ()
      %mul3A_18 = arith.constant 10000 : i32
      %mul3A_19 = arith.muli %arg1, %mul3A_18 : i32
      %mul3A_20 = arith.constant 80 : i32
      %mul3A_21 = arith.muli %add3A_14, %mul3A_20 : i32
      %add3A_22 = arith.addi %mul3A_19, %mul3A_21 : i32
      "tpu.region"() ({
        %run_scoped3A = tpu.sem_alloc : memref<!tpu.dma_semaphore, #tpu.memory_space<semaphore_mem>>
        %dma_start3A_27 = tpu.memref_slice %arg4[%add3A_22] : memref<160000xi32, #tpu.memory_space<hbm>> -> memref<80xi32, #tpu.memory_space<hbm>>
        %dma_start3A_28 = tpu.memref_slice %arg4[%add3A_22] : memref<160000xi32, #tpu.memory_space<hbm>> -> memref<80xi32, #tpu.memory_space<hbm>>
        tpu.enqueue_dma source(%dma_start3A_28 : memref<80xi32, #tpu.memory_space<hbm>>) target(%arg8 : memref<80xi32, #tpu.memory_space<vmem>>) target_semaphore(%run_scoped3A : memref<!tpu.dma_semaphore, #tpu.memory_space<semaphore_mem>>)
        %dma_wait3A_29 = tpu.memref_slice %arg4[%add3A_22] : memref<160000xi32, #tpu.memory_space<hbm>> -> memref<80xi32, #tpu.memory_space<hbm>>
        %dma_wait3A_30 = tpu.memref_slice %arg4[%add3A_22] : memref<160000xi32, #tpu.memory_space<hbm>> -> memref<80xi32, #tpu.memory_space<hbm>>
        tpu.wait_dma2 semaphore(%run_scoped3A : memref<!tpu.dma_semaphore, #tpu.memory_space<semaphore_mem>>) src(%dma_wait3A_30 : memref<80xi32, #tpu.memory_space<hbm>>) dst(%arg8 : memref<80xi32, #tpu.memory_space<vmem>>)
        tpu.yield
      }) : () -> ()
      %dma_start3A = arith.constant 0 : i32
      %dma_start3A_23 = arith.constant 0 : i32
      %dma_start3A_24 = tpu.memref_slice %arg2[%dma_start3A, %dma_start3A_23] : memref<20000x128xf32, #tpu.memory_space<hbm>> -> memref<20000x128xf32, #tpu.memory_space<hbm>>
      tpu.enqueue_indirect_dma source(%dma_start3A_24 : memref<20000x128xf32, #tpu.memory_space<hbm>>) target(%arg9 : memref<80x128xf32, #tpu.memory_space<vmem>>) offsets(%arg7 : memref<80xi32, #tpu.memory_space<vmem>>) semaphore(%arg11 : memref<!tpu.dma_semaphore, #tpu.memory_space<semaphore_mem>>)
      %dma_wait3A = arith.constant 0 : i32
      %dma_wait3A_25 = arith.constant 0 : i32
      %dma_wait3A_26 = tpu.memref_slice %arg2[%dma_wait3A, %dma_wait3A_25] : memref<20000x128xf32, #tpu.memory_space<hbm>> -> memref<20000x128xf32, #tpu.memory_space<hbm>>
      tpu.wait_indirect_dma semaphore(%arg11 : memref<!tpu.dma_semaphore, #tpu.memory_space<semaphore_mem>>) src(%dma_wait3A_26 : memref<20000x128xf32, #tpu.memory_space<hbm>>) dst(%arg9 : memref<80x128xf32, #tpu.memory_space<vmem>>)
      "tpu.region"() ({
        %run_scoped3A = tpu.sem_alloc : memref<!tpu.dma_semaphore, #tpu.memory_space<semaphore_mem>>
        %dma_start3A_27 = arith.constant 0 : i32
        %dma_start3A_28 = arith.constant 0 : i32
        %dma_start3A_29 = tpu.memref_slice %arg10[%dma_start3A_27, %dma_start3A_28] : memref<10240x128xf32, #tpu.memory_space<vmem_shared>> -> memref<10240x128xf32, #tpu.memory_space<vmem_shared>>
        tpu.enqueue_indirect_dma source(%arg9 : memref<80x128xf32, #tpu.memory_space<vmem>>) target(%dma_start3A_29 : memref<10240x128xf32, #tpu.memory_space<vmem_shared>>) offsets(%arg8 : memref<80xi32, #tpu.memory_space<vmem>>) semaphore(%run_scoped3A : memref<!tpu.dma_semaphore, #tpu.memory_space<semaphore_mem>>) {add = true}
        %dma_wait3A_30 = arith.constant 0 : i32
        %dma_wait3A_31 = arith.constant 0 : i32
        %dma_wait3A_32 = tpu.memref_slice %arg10[%dma_wait3A_30, %dma_wait3A_31] : memref<10240x128xf32, #tpu.memory_space<vmem_shared>> -> memref<10240x128xf32, #tpu.memory_space<vmem_shared>>
        tpu.wait_indirect_dma semaphore(%run_scoped3A : memref<!tpu.dma_semaphore, #tpu.memory_space<semaphore_mem>>) src(%arg9 : memref<80x128xf32, #tpu.memory_space<vmem>>) dst(%dma_wait3A_32 : memref<10240x128xf32, #tpu.memory_space<vmem_shared>>)
        tpu.yield
      }) : () -> ()
    }
    %scan3A_8 = arith.constant 125 : i32
    %barrier3A_9 = arith.constant 0 : index
    tpu.barrier barrier_id(%barrier3A_9)
    "tpu.region"() ({
      %run_scoped3A = tpu.sem_alloc : memref<!tpu.dma_semaphore, #tpu.memory_space<semaphore_mem>>
      %dma_start3A = arith.constant 0 : i32
      %dma_start3A_10 = tpu.memref_slice %arg6[%arg0, %mul3A_0, %dma_start3A] : memref<2x10240x128xf32, #tpu.memory_space<hbm>> -> memref<1x640x128xf32, #tpu.memory_space<hbm>>
      %dma_start3A_11 = tpu.memref_squeeze %dma_start3A_10 : memref<1x640x128xf32, #tpu.memory_space<hbm>> -> memref<640x128xf32, #tpu.memory_space<hbm>>
      %dma_start3A_12 = arith.constant 0 : i32
      %dma_start3A_13 = tpu.memref_slice %arg10[%mul3A_0, %dma_start3A_12] : memref<10240x128xf32, #tpu.memory_space<vmem_shared>> -> memref<640x128xf32, #tpu.memory_space<vmem_shared>>
      tpu.enqueue_dma source(%dma_start3A_13 : memref<640x128xf32, #tpu.memory_space<vmem_shared>>) target(%dma_start3A_11 : memref<640x128xf32, #tpu.memory_space<hbm>>) target_semaphore(%run_scoped3A : memref<!tpu.dma_semaphore, #tpu.memory_space<semaphore_mem>>)
      %dma_wait3A = arith.constant 0 : i32
      %dma_wait3A_14 = tpu.memref_slice %arg6[%arg0, %mul3A_0, %dma_wait3A] : memref<2x10240x128xf32, #tpu.memory_space<hbm>> -> memref<1x640x128xf32, #tpu.memory_space<hbm>>
      %dma_wait3A_15 = tpu.memref_squeeze %dma_wait3A_14 : memref<1x640x128xf32, #tpu.memory_space<hbm>> -> memref<640x128xf32, #tpu.memory_space<hbm>>
      %dma_wait3A_16 = arith.constant 0 : i32
      %dma_wait3A_17 = tpu.memref_slice %arg10[%mul3A_0, %dma_wait3A_16] : memref<10240x128xf32, #tpu.memory_space<vmem_shared>> -> memref<640x128xf32, #tpu.memory_space<vmem_shared>>
      tpu.wait_dma2 semaphore(%run_scoped3A : memref<!tpu.dma_semaphore, #tpu.memory_space<semaphore_mem>>) src(%dma_wait3A_17 : memref<640x128xf32, #tpu.memory_space<vmem_shared>>) dst(%dma_wait3A_15 : memref<640x128xf32, #tpu.memory_space<hbm>>)
      tpu.yield
    }) : () -> ()
    return
  }
}

#map = affine_map<(d0, d1) -> (0, 0)>
#map1 = affine_map<(d0, d1) -> (0)>
#map2 = affine_map<(d0, d1) -> (0, 0, 0)>
module attributes {stable_mosaic.version = 14 : i64} {
  func.func @k(%arg0: i32, %arg1: i32, %arg2: memref<20000x128xf32, #tpu.memory_space<hbm>>, %arg3: memref<320000xi32, #tpu.memory_space<hbm>>, %arg4: memref<160000xi32, #tpu.memory_space<hbm>>, %arg5: memref<640x128xf32, #tpu.memory_space<hbm>>, %arg6: memref<2x10240x128xf32, #tpu.memory_space<hbm>>, %arg7: memref<80xi32, #tpu.memory_space<vmem>>, %arg8: memref<80xi32, #tpu.memory_space<vmem>>, %arg9: memref<80x128xf32, #tpu.memory_space<vmem>>, %arg10: memref<10240x128xf32, #tpu.memory_space<vmem_shared>>, %arg11: memref<!tpu.dma_semaphore, #tpu.memory_space<semaphore_mem>>) attributes {dimension_semantics = [#tpu.dimension_semantics<core_parallel>, #tpu.dimension_semantics<subcore_parallel>], iteration_bounds = array<i64: 2, 16>, scalar_prefetch = 0 : i64, scratch_operands = 5 : i64, tpu.core_type = #tpu.core_type<sc_vector_subcore>, window_params = [{transform_indices = #map}, {transform_indices = #map1}, {transform_indices = #map1}, {transform_indices = #map}, {transform_indices = #map2}]} {
    %mul3A = arith.constant 640 : i32
    %mul3A_0 = arith.muli %arg1, %mul3A : i32
    "tpu.region"() ({
      %run_scoped3A = tpu.sem_alloc : memref<!tpu.dma_semaphore, #tpu.memory_space<semaphore_mem>>
      %dma_start3A = arith.constant 0 : i32
      %dma_start3A_10 = tpu.memref_slice %arg10[%mul3A_0, %dma_start3A] : memref<10240x128xf32, #tpu.memory_space<vmem_shared>> -> memref<640x128xf32, #tpu.memory_space<vmem_shared>>
      tpu.enqueue_dma source(%arg5 : memref<640x128xf32, #tpu.memory_space<hbm>>) target(%dma_start3A_10 : memref<640x128xf32, #tpu.memory_space<vmem_shared>>) target_semaphore(%run_scoped3A : memref<!tpu.dma_semaphore, #tpu.memory_space<semaphore_mem>>)
      %dma_wait3A = arith.constant 0 : i32
      %dma_wait3A_11 = tpu.memref_slice %arg10[%mul3A_0, %dma_wait3A] : memref<10240x128xf32, #tpu.memory_space<vmem_shared>> -> memref<640x128xf32, #tpu.memory_space<vmem_shared>>
      tpu.wait_dma2 semaphore(%run_scoped3A : memref<!tpu.dma_semaphore, #tpu.memory_space<semaphore_mem>>) src(%arg5 : memref<640x128xf32, #tpu.memory_space<hbm>>) dst(%dma_wait3A_11 : memref<640x128xf32, #tpu.memory_space<vmem_shared>>)
      tpu.yield
    }) : () -> ()
    %barrier3A = arith.constant 0 : index
    tpu.barrier barrier_id(%barrier3A)
    %mul3A_1 = arith.constant 160000 : i32
    %mul3A_2 = arith.muli %arg0, %mul3A_1 : i32
    %mul3A_3 = arith.constant 10000 : i32
    %mul3A_4 = arith.muli %arg1, %mul3A_3 : i32
    %add3A = arith.addi %mul3A_2, %mul3A_4 : i32
    %scan3A = arith.constant 0 : i32
    %scan3A_5 = arith.constant 125 : i32
    %scan3A_6 = arith.addi %scan3A, %scan3A_5 : i32
    %scan3A_7 = arith.constant 1 : i32
    scf.for %scan3A_10 = %scan3A to %scan3A_6 step %scan3A_7  : i32 {
      %mul3A_11 = arith.constant 1 : i32
      %mul3A_12 = arith.muli %scan3A_10, %mul3A_11 : i32
      %add3A_13 = arith.constant 0 : i32
      %add3A_14 = arith.addi %add3A_13, %mul3A_12 : i32
      %mul3A_15 = arith.constant 80 : i32
      %mul3A_16 = arith.muli %add3A_14, %mul3A_15 : i32
      %add3A_17 = arith.addi %add3A, %mul3A_16 : i32
      "tpu.region"() ({
        %run_scoped3A = tpu.sem_alloc : memref<!tpu.dma_semaphore, #tpu.memory_space<semaphore_mem>>
        %dma_start3A_27 = tpu.memref_slice %arg3[%add3A_17] : memref<320000xi32, #tpu.memory_space<hbm>> -> memref<80xi32, #tpu.memory_space<hbm>>
        %dma_start3A_28 = tpu.memref_slice %arg3[%add3A_17] : memref<320000xi32, #tpu.memory_space<hbm>> -> memref<80xi32, #tpu.memory_space<hbm>>
        tpu.enqueue_dma source(%dma_start3A_28 : memref<80xi32, #tpu.memory_space<hbm>>) target(%arg7 : memref<80xi32, #tpu.memory_space<vmem>>) target_semaphore(%run_scoped3A : memref<!tpu.dma_semaphore, #tpu.memory_space<semaphore_mem>>)
        %dma_wait3A_29 = tpu.memref_slice %arg3[%add3A_17] : memref<320000xi32, #tpu.memory_space<hbm>> -> memref<80xi32, #tpu.memory_space<hbm>>
        %dma_wait3A_30 = tpu.memref_slice %arg3[%add3A_17] : memref<320000xi32, #tpu.memory_space<hbm>> -> memref<80xi32, #tpu.memory_space<hbm>>
        tpu.wait_dma2 semaphore(%run_scoped3A : memref<!tpu.dma_semaphore, #tpu.memory_space<semaphore_mem>>) src(%dma_wait3A_30 : memref<80xi32, #tpu.memory_space<hbm>>) dst(%arg7 : memref<80xi32, #tpu.memory_space<vmem>>)
        tpu.yield
      }) : () -> ()
      %mul3A_18 = arith.constant 10000 : i32
      %mul3A_19 = arith.muli %arg1, %mul3A_18 : i32
      %mul3A_20 = arith.constant 80 : i32
      %mul3A_21 = arith.muli %add3A_14, %mul3A_20 : i32
      %add3A_22 = arith.addi %mul3A_19, %mul3A_21 : i32
      "tpu.region"() ({
        %run_scoped3A = tpu.sem_alloc : memref<!tpu.dma_semaphore, #tpu.memory_space<semaphore_mem>>
        %dma_start3A_27 = tpu.memref_slice %arg4[%add3A_22] : memref<160000xi32, #tpu.memory_space<hbm>> -> memref<80xi32, #tpu.memory_space<hbm>>
        %dma_start3A_28 = tpu.memref_slice %arg4[%add3A_22] : memref<160000xi32, #tpu.memory_space<hbm>> -> memref<80xi32, #tpu.memory_space<hbm>>
        tpu.enqueue_dma source(%dma_start3A_28 : memref<80xi32, #tpu.memory_space<hbm>>) target(%arg8 : memref<80xi32, #tpu.memory_space<vmem>>) target_semaphore(%run_scoped3A : memref<!tpu.dma_semaphore, #tpu.memory_space<semaphore_mem>>)
        %dma_wait3A_29 = tpu.memref_slice %arg4[%add3A_22] : memref<160000xi32, #tpu.memory_space<hbm>> -> memref<80xi32, #tpu.memory_space<hbm>>
        %dma_wait3A_30 = tpu.memref_slice %arg4[%add3A_22] : memref<160000xi32, #tpu.memory_space<hbm>> -> memref<80xi32, #tpu.memory_space<hbm>>
        tpu.wait_dma2 semaphore(%run_scoped3A : memref<!tpu.dma_semaphore, #tpu.memory_space<semaphore_mem>>) src(%dma_wait3A_30 : memref<80xi32, #tpu.memory_space<hbm>>) dst(%arg8 : memref<80xi32, #tpu.memory_space<vmem>>)
        tpu.yield
      }) : () -> ()
      %dma_start3A = arith.constant 0 : i32
      %dma_start3A_23 = arith.constant 0 : i32
      %dma_start3A_24 = tpu.memref_slice %arg2[%dma_start3A, %dma_start3A_23] : memref<20000x128xf32, #tpu.memory_space<hbm>> -> memref<20000x128xf32, #tpu.memory_space<hbm>>
      tpu.enqueue_indirect_dma source(%dma_start3A_24 : memref<20000x128xf32, #tpu.memory_space<hbm>>) target(%arg9 : memref<80x128xf32, #tpu.memory_space<vmem>>) offsets(%arg7 : memref<80xi32, #tpu.memory_space<vmem>>) semaphore(%arg11 : memref<!tpu.dma_semaphore, #tpu.memory_space<semaphore_mem>>)
      %dma_wait3A = arith.constant 0 : i32
      %dma_wait3A_25 = arith.constant 0 : i32
      %dma_wait3A_26 = tpu.memref_slice %arg2[%dma_wait3A, %dma_wait3A_25] : memref<20000x128xf32, #tpu.memory_space<hbm>> -> memref<20000x128xf32, #tpu.memory_space<hbm>>
      tpu.wait_indirect_dma semaphore(%arg11 : memref<!tpu.dma_semaphore, #tpu.memory_space<semaphore_mem>>) src(%dma_wait3A_26 : memref<20000x128xf32, #tpu.memory_space<hbm>>) dst(%arg9 : memref<80x128xf32, #tpu.memory_space<vmem>>)
      "tpu.region"() ({
        %run_scoped3A = tpu.sem_alloc : memref<!tpu.dma_semaphore, #tpu.memory_space<semaphore_mem>>
        %dma_start3A_27 = arith.constant 0 : i32
        %dma_start3A_28 = arith.constant 0 : i32
        %dma_start3A_29 = tpu.memref_slice %arg10[%dma_start3A_27, %dma_start3A_28] : memref<10240x128xf32, #tpu.memory_space<vmem_shared>> -> memref<10240x128xf32, #tpu.memory_space<vmem_shared>>
        tpu.enqueue_indirect_dma source(%arg9 : memref<80x128xf32, #tpu.memory_space<vmem>>) target(%dma_start3A_29 : memref<10240x128xf32, #tpu.memory_space<vmem_shared>>) offsets(%arg8 : memref<80xi32, #tpu.memory_space<vmem>>) semaphore(%run_scoped3A : memref<!tpu.dma_semaphore, #tpu.memory_space<semaphore_mem>>) {add = true}
        %dma_wait3A_30 = arith.constant 0 : i32
        %dma_wait3A_31 = arith.constant 0 : i32
        %dma_wait3A_32 = tpu.memref_slice %arg10[%dma_wait3A_30, %dma_wait3A_31] : memref<10240x128xf32, #tpu.memory_space<vmem_shared>> -> memref<10240x128xf32, #tpu.memory_space<vmem_shared>>
        tpu.wait_indirect_dma semaphore(%run_scoped3A : memref<!tpu.dma_semaphore, #tpu.memory_space<semaphore_mem>>) src(%arg9 : memref<80x128xf32, #tpu.memory_space<vmem>>) dst(%dma_wait3A_32 : memref<10240x128xf32, #tpu.memory_space<vmem_shared>>)
        tpu.yield
      }) : () -> ()
    }
    %scan3A_8 = arith.constant 125 : i32
    %barrier3A_9 = arith.constant 0 : index
    tpu.barrier barrier_id(%barrier3A_9)
    "tpu.region"() ({
      %run_scoped3A = tpu.sem_alloc : memref<!tpu.dma_semaphore, #tpu.memory_space<semaphore_mem>>
      %dma_start3A = arith.constant 0 : i32
      %dma_start3A_10 = tpu.memref_slice %arg6[%arg0, %mul3A_0, %dma_start3A] : memref<2x10240x128xf32, #tpu.memory_space<hbm>> -> memref<1x640x128xf32, #tpu.memory_space<hbm>>
      %dma_start3A_11 = tpu.memref_squeeze %dma_start3A_10 : memref<1x640x128xf32, #tpu.memory_space<hbm>> -> memref<640x128xf32, #tpu.memory_space<hbm>>
      %dma_start3A_12 = arith.constant 0 : i32
      %dma_start3A_13 = tpu.memref_slice %arg10[%mul3A_0, %dma_start3A_12] : memref<10240x128xf32, #tpu.memory_space<vmem_shared>> -> memref<640x128xf32, #tpu.memory_space<vmem_shared>>
      tpu.enqueue_dma source(%dma_start3A_13 : memref<640x128xf32, #tpu.memory_space<vmem_shared>>) target(%dma_start3A_11 : memref<640x128xf32, #tpu.memory_space<hbm>>) target_semaphore(%run_scoped3A : memref<!tpu.dma_semaphore, #tpu.memory_space<semaphore_mem>>)
      %dma_wait3A = arith.constant 0 : i32
      %dma_wait3A_14 = tpu.memref_slice %arg6[%arg0, %mul3A_0, %dma_wait3A] : memref<2x10240x128xf32, #tpu.memory_space<hbm>> -> memref<1x640x128xf32, #tpu.memory_space<hbm>>
      %dma_wait3A_15 = tpu.memref_squeeze %dma_wait3A_14 : memref<1x640x128xf32, #tpu.memory_space<hbm>> -> memref<640x128xf32, #tpu.memory_space<hbm>>
      %dma_wait3A_16 = arith.constant 0 : i32
      %dma_wait3A_17 = tpu.memref_slice %arg10[%mul3A_0, %dma_wait3A_16] : memref<10240x128xf32, #tpu.memory_space<vmem_shared>> -> memref<640x128xf32, #tpu.memory_space<vmem_shared>>
      tpu.wait_dma2 semaphore(%run_scoped3A : memref<!tpu.dma_semaphore, #tpu.memory_space<semaphore_mem>>) src(%dma_wait3A_17 : memref<640x128xf32, #tpu.memory_space<vmem_shared>>) dst(%dma_wait3A_15 : memref<640x128xf32, #tpu.memory_space<hbm>>)
      tpu.yield
    }) : () -> ()
    return
  }
}

#map = affine_map<(d0, d1) -> (0, 0)>
#map1 = affine_map<(d0, d1) -> (0)>
#map2 = affine_map<(d0, d1) -> (0, 0, 0)>
module attributes {stable_mosaic.version = 14 : i64} {
  func.func @k(%arg0: i32, %arg1: i32, %arg2: memref<20000x128xf32, #tpu.memory_space<hbm>>, %arg3: memref<320000xi32, #tpu.memory_space<hbm>>, %arg4: memref<160000xi32, #tpu.memory_space<hbm>>, %arg5: memref<640x128xf32, #tpu.memory_space<hbm>>, %arg6: memref<2x10240x128xf32, #tpu.memory_space<hbm>>, %arg7: memref<80xi32, #tpu.memory_space<vmem>>, %arg8: memref<80xi32, #tpu.memory_space<vmem>>, %arg9: memref<80x128xf32, #tpu.memory_space<vmem>>, %arg10: memref<10240x128xf32, #tpu.memory_space<vmem_shared>>, %arg11: memref<!tpu.dma_semaphore, #tpu.memory_space<semaphore_mem>>) attributes {dimension_semantics = [#tpu.dimension_semantics<core_parallel>, #tpu.dimension_semantics<subcore_parallel>], iteration_bounds = array<i64: 2, 16>, scalar_prefetch = 0 : i64, scratch_operands = 5 : i64, tpu.core_type = #tpu.core_type<sc_vector_subcore>, window_params = [{transform_indices = #map}, {transform_indices = #map1}, {transform_indices = #map1}, {transform_indices = #map}, {transform_indices = #map2}]} {
    %mul3A = arith.constant 640 : i32
    %mul3A_0 = arith.muli %arg1, %mul3A : i32
    "tpu.region"() ({
      %run_scoped3A = tpu.sem_alloc : memref<!tpu.dma_semaphore, #tpu.memory_space<semaphore_mem>>
      %dma_start3A = arith.constant 0 : i32
      %dma_start3A_10 = tpu.memref_slice %arg10[%mul3A_0, %dma_start3A] : memref<10240x128xf32, #tpu.memory_space<vmem_shared>> -> memref<640x128xf32, #tpu.memory_space<vmem_shared>>
      tpu.enqueue_dma source(%arg5 : memref<640x128xf32, #tpu.memory_space<hbm>>) target(%dma_start3A_10 : memref<640x128xf32, #tpu.memory_space<vmem_shared>>) target_semaphore(%run_scoped3A : memref<!tpu.dma_semaphore, #tpu.memory_space<semaphore_mem>>)
      %dma_wait3A = arith.constant 0 : i32
      %dma_wait3A_11 = tpu.memref_slice %arg10[%mul3A_0, %dma_wait3A] : memref<10240x128xf32, #tpu.memory_space<vmem_shared>> -> memref<640x128xf32, #tpu.memory_space<vmem_shared>>
      tpu.wait_dma2 semaphore(%run_scoped3A : memref<!tpu.dma_semaphore, #tpu.memory_space<semaphore_mem>>) src(%arg5 : memref<640x128xf32, #tpu.memory_space<hbm>>) dst(%dma_wait3A_11 : memref<640x128xf32, #tpu.memory_space<vmem_shared>>)
      tpu.yield
    }) : () -> ()
    %barrier3A = arith.constant 0 : index
    tpu.barrier barrier_id(%barrier3A)
    %mul3A_1 = arith.constant 160000 : i32
    %mul3A_2 = arith.muli %arg0, %mul3A_1 : i32
    %mul3A_3 = arith.constant 10000 : i32
    %mul3A_4 = arith.muli %arg1, %mul3A_3 : i32
    %add3A = arith.addi %mul3A_2, %mul3A_4 : i32
    %scan3A = arith.constant 0 : i32
    %scan3A_5 = arith.constant 125 : i32
    %scan3A_6 = arith.addi %scan3A, %scan3A_5 : i32
    %scan3A_7 = arith.constant 1 : i32
    scf.for %scan3A_10 = %scan3A to %scan3A_6 step %scan3A_7  : i32 {
      %mul3A_11 = arith.constant 1 : i32
      %mul3A_12 = arith.muli %scan3A_10, %mul3A_11 : i32
      %add3A_13 = arith.constant 0 : i32
      %add3A_14 = arith.addi %add3A_13, %mul3A_12 : i32
      %mul3A_15 = arith.constant 80 : i32
      %mul3A_16 = arith.muli %add3A_14, %mul3A_15 : i32
      %add3A_17 = arith.addi %add3A, %mul3A_16 : i32
      "tpu.region"() ({
        %run_scoped3A = tpu.sem_alloc : memref<!tpu.dma_semaphore, #tpu.memory_space<semaphore_mem>>
        %dma_start3A_27 = tpu.memref_slice %arg3[%add3A_17] : memref<320000xi32, #tpu.memory_space<hbm>> -> memref<80xi32, #tpu.memory_space<hbm>>
        %dma_start3A_28 = tpu.memref_slice %arg3[%add3A_17] : memref<320000xi32, #tpu.memory_space<hbm>> -> memref<80xi32, #tpu.memory_space<hbm>>
        tpu.enqueue_dma source(%dma_start3A_28 : memref<80xi32, #tpu.memory_space<hbm>>) target(%arg7 : memref<80xi32, #tpu.memory_space<vmem>>) target_semaphore(%run_scoped3A : memref<!tpu.dma_semaphore, #tpu.memory_space<semaphore_mem>>)
        %dma_wait3A_29 = tpu.memref_slice %arg3[%add3A_17] : memref<320000xi32, #tpu.memory_space<hbm>> -> memref<80xi32, #tpu.memory_space<hbm>>
        %dma_wait3A_30 = tpu.memref_slice %arg3[%add3A_17] : memref<320000xi32, #tpu.memory_space<hbm>> -> memref<80xi32, #tpu.memory_space<hbm>>
        tpu.wait_dma2 semaphore(%run_scoped3A : memref<!tpu.dma_semaphore, #tpu.memory_space<semaphore_mem>>) src(%dma_wait3A_30 : memref<80xi32, #tpu.memory_space<hbm>>) dst(%arg7 : memref<80xi32, #tpu.memory_space<vmem>>)
        tpu.yield
      }) : () -> ()
      %mul3A_18 = arith.constant 10000 : i32
      %mul3A_19 = arith.muli %arg1, %mul3A_18 : i32
      %mul3A_20 = arith.constant 80 : i32
      %mul3A_21 = arith.muli %add3A_14, %mul3A_20 : i32
      %add3A_22 = arith.addi %mul3A_19, %mul3A_21 : i32
      "tpu.region"() ({
        %run_scoped3A = tpu.sem_alloc : memref<!tpu.dma_semaphore, #tpu.memory_space<semaphore_mem>>
        %dma_start3A_27 = tpu.memref_slice %arg4[%add3A_22] : memref<160000xi32, #tpu.memory_space<hbm>> -> memref<80xi32, #tpu.memory_space<hbm>>
        %dma_start3A_28 = tpu.memref_slice %arg4[%add3A_22] : memref<160000xi32, #tpu.memory_space<hbm>> -> memref<80xi32, #tpu.memory_space<hbm>>
        tpu.enqueue_dma source(%dma_start3A_28 : memref<80xi32, #tpu.memory_space<hbm>>) target(%arg8 : memref<80xi32, #tpu.memory_space<vmem>>) target_semaphore(%run_scoped3A : memref<!tpu.dma_semaphore, #tpu.memory_space<semaphore_mem>>)
        %dma_wait3A_29 = tpu.memref_slice %arg4[%add3A_22] : memref<160000xi32, #tpu.memory_space<hbm>> -> memref<80xi32, #tpu.memory_space<hbm>>
        %dma_wait3A_30 = tpu.memref_slice %arg4[%add3A_22] : memref<160000xi32, #tpu.memory_space<hbm>> -> memref<80xi32, #tpu.memory_space<hbm>>
        tpu.wait_dma2 semaphore(%run_scoped3A : memref<!tpu.dma_semaphore, #tpu.memory_space<semaphore_mem>>) src(%dma_wait3A_30 : memref<80xi32, #tpu.memory_space<hbm>>) dst(%arg8 : memref<80xi32, #tpu.memory_space<vmem>>)
        tpu.yield
      }) : () -> ()
      %dma_start3A = arith.constant 0 : i32
      %dma_start3A_23 = arith.constant 0 : i32
      %dma_start3A_24 = tpu.memref_slice %arg2[%dma_start3A, %dma_start3A_23] : memref<20000x128xf32, #tpu.memory_space<hbm>> -> memref<20000x128xf32, #tpu.memory_space<hbm>>
      tpu.enqueue_indirect_dma source(%dma_start3A_24 : memref<20000x128xf32, #tpu.memory_space<hbm>>) target(%arg9 : memref<80x128xf32, #tpu.memory_space<vmem>>) offsets(%arg7 : memref<80xi32, #tpu.memory_space<vmem>>) semaphore(%arg11 : memref<!tpu.dma_semaphore, #tpu.memory_space<semaphore_mem>>)
      %dma_wait3A = arith.constant 0 : i32
      %dma_wait3A_25 = arith.constant 0 : i32
      %dma_wait3A_26 = tpu.memref_slice %arg2[%dma_wait3A, %dma_wait3A_25] : memref<20000x128xf32, #tpu.memory_space<hbm>> -> memref<20000x128xf32, #tpu.memory_space<hbm>>
      tpu.wait_indirect_dma semaphore(%arg11 : memref<!tpu.dma_semaphore, #tpu.memory_space<semaphore_mem>>) src(%dma_wait3A_26 : memref<20000x128xf32, #tpu.memory_space<hbm>>) dst(%arg9 : memref<80x128xf32, #tpu.memory_space<vmem>>)
      "tpu.region"() ({
        %run_scoped3A = tpu.sem_alloc : memref<!tpu.dma_semaphore, #tpu.memory_space<semaphore_mem>>
        %dma_start3A_27 = arith.constant 0 : i32
        %dma_start3A_28 = arith.constant 0 : i32
        %dma_start3A_29 = tpu.memref_slice %arg10[%dma_start3A_27, %dma_start3A_28] : memref<10240x128xf32, #tpu.memory_space<vmem_shared>> -> memref<10240x128xf32, #tpu.memory_space<vmem_shared>>
        tpu.enqueue_indirect_dma source(%arg9 : memref<80x128xf32, #tpu.memory_space<vmem>>) target(%dma_start3A_29 : memref<10240x128xf32, #tpu.memory_space<vmem_shared>>) offsets(%arg8 : memref<80xi32, #tpu.memory_space<vmem>>) semaphore(%run_scoped3A : memref<!tpu.dma_semaphore, #tpu.memory_space<semaphore_mem>>) {add = true}
        %dma_wait3A_30 = arith.constant 0 : i32
        %dma_wait3A_31 = arith.constant 0 : i32
        %dma_wait3A_32 = tpu.memref_slice %arg10[%dma_wait3A_30, %dma_wait3A_31] : memref<10240x128xf32, #tpu.memory_space<vmem_shared>> -> memref<10240x128xf32, #tpu.memory_space<vmem_shared>>
        tpu.wait_indirect_dma semaphore(%run_scoped3A : memref<!tpu.dma_semaphore, #tpu.memory_space<semaphore_mem>>) src(%arg9 : memref<80x128xf32, #tpu.memory_space<vmem>>) dst(%dma_wait3A_32 : memref<10240x128xf32, #tpu.memory_space<vmem_shared>>)
        tpu.yield
      }) : () -> ()
    }
    %scan3A_8 = arith.constant 125 : i32
    %barrier3A_9 = arith.constant 0 : index
    tpu.barrier barrier_id(%barrier3A_9)
    "tpu.region"() ({
      %run_scoped3A = tpu.sem_alloc : memref<!tpu.dma_semaphore, #tpu.memory_space<semaphore_mem>>
      %dma_start3A = arith.constant 0 : i32
      %dma_start3A_10 = tpu.memref_slice %arg6[%arg0, %mul3A_0, %dma_start3A] : memref<2x10240x128xf32, #tpu.memory_space<hbm>> -> memref<1x640x128xf32, #tpu.memory_space<hbm>>
      %dma_start3A_11 = tpu.memref_squeeze %dma_start3A_10 : memref<1x640x128xf32, #tpu.memory_space<hbm>> -> memref<640x128xf32, #tpu.memory_space<hbm>>
      %dma_start3A_12 = arith.constant 0 : i32
      %dma_start3A_13 = tpu.memref_slice %arg10[%mul3A_0, %dma_start3A_12] : memref<10240x128xf32, #tpu.memory_space<vmem_shared>> -> memref<640x128xf32, #tpu.memory_space<vmem_shared>>
      tpu.enqueue_dma source(%dma_start3A_13 : memref<640x128xf32, #tpu.memory_space<vmem_shared>>) target(%dma_start3A_11 : memref<640x128xf32, #tpu.memory_space<hbm>>) target_semaphore(%run_scoped3A : memref<!tpu.dma_semaphore, #tpu.memory_space<semaphore_mem>>)
      %dma_wait3A = arith.constant 0 : i32
      %dma_wait3A_14 = tpu.memref_slice %arg6[%arg0, %mul3A_0, %dma_wait3A] : memref<2x10240x128xf32, #tpu.memory_space<hbm>> -> memref<1x640x128xf32, #tpu.memory_space<hbm>>
      %dma_wait3A_15 = tpu.memref_squeeze %dma_wait3A_14 : memref<1x640x128xf32, #tpu.memory_space<hbm>> -> memref<640x128xf32, #tpu.memory_space<hbm>>
      %dma_wait3A_16 = arith.constant 0 : i32
      %dma_wait3A_17 = tpu.memref_slice %arg10[%mul3A_0, %dma_wait3A_16] : memref<10240x128xf32, #tpu.memory_space<vmem_shared>> -> memref<640x128xf32, #tpu.memory_space<vmem_shared>>
      tpu.wait_dma2 semaphore(%run_scoped3A : memref<!tpu.dma_semaphore, #tpu.memory_space<semaphore_mem>>) src(%dma_wait3A_17 : memref<640x128xf32, #tpu.memory_space<vmem_shared>>) dst(%dma_wait3A_15 : memref<640x128xf32, #tpu.memory_space<hbm>>)
      tpu.yield
    }) : () -> ()
    return
  }
}

#map = affine_map<(d0, d1) -> (0, 0)>
#map1 = affine_map<(d0, d1) -> (0)>
#map2 = affine_map<(d0, d1) -> (0, 0, 0)>
module attributes {stable_mosaic.version = 14 : i64} {
  func.func @k(%arg0: i32, %arg1: i32, %arg2: memref<20000x128xf32, #tpu.memory_space<hbm>>, %arg3: memref<320000xi32, #tpu.memory_space<hbm>>, %arg4: memref<160000xi32, #tpu.memory_space<hbm>>, %arg5: memref<640x128xf32, #tpu.memory_space<hbm>>, %arg6: memref<2x10240x128xf32, #tpu.memory_space<hbm>>, %arg7: memref<80xi32, #tpu.memory_space<vmem>>, %arg8: memref<80xi32, #tpu.memory_space<vmem>>, %arg9: memref<80x128xf32, #tpu.memory_space<vmem>>, %arg10: memref<10240x128xf32, #tpu.memory_space<vmem_shared>>, %arg11: memref<!tpu.dma_semaphore, #tpu.memory_space<semaphore_mem>>) attributes {dimension_semantics = [#tpu.dimension_semantics<core_parallel>, #tpu.dimension_semantics<subcore_parallel>], iteration_bounds = array<i64: 2, 16>, scalar_prefetch = 0 : i64, scratch_operands = 5 : i64, tpu.core_type = #tpu.core_type<sc_vector_subcore>, window_params = [{transform_indices = #map}, {transform_indices = #map1}, {transform_indices = #map1}, {transform_indices = #map}, {transform_indices = #map2}]} {
    %mul3A = arith.constant 640 : i32
    %mul3A_0 = arith.muli %arg1, %mul3A : i32
    "tpu.region"() ({
      %run_scoped3A = tpu.sem_alloc : memref<!tpu.dma_semaphore, #tpu.memory_space<semaphore_mem>>
      %dma_start3A = arith.constant 0 : i32
      %dma_start3A_10 = tpu.memref_slice %arg10[%mul3A_0, %dma_start3A] : memref<10240x128xf32, #tpu.memory_space<vmem_shared>> -> memref<640x128xf32, #tpu.memory_space<vmem_shared>>
      tpu.enqueue_dma source(%arg5 : memref<640x128xf32, #tpu.memory_space<hbm>>) target(%dma_start3A_10 : memref<640x128xf32, #tpu.memory_space<vmem_shared>>) target_semaphore(%run_scoped3A : memref<!tpu.dma_semaphore, #tpu.memory_space<semaphore_mem>>)
      %dma_wait3A = arith.constant 0 : i32
      %dma_wait3A_11 = tpu.memref_slice %arg10[%mul3A_0, %dma_wait3A] : memref<10240x128xf32, #tpu.memory_space<vmem_shared>> -> memref<640x128xf32, #tpu.memory_space<vmem_shared>>
      tpu.wait_dma2 semaphore(%run_scoped3A : memref<!tpu.dma_semaphore, #tpu.memory_space<semaphore_mem>>) src(%arg5 : memref<640x128xf32, #tpu.memory_space<hbm>>) dst(%dma_wait3A_11 : memref<640x128xf32, #tpu.memory_space<vmem_shared>>)
      tpu.yield
    }) : () -> ()
    %barrier3A = arith.constant 0 : index
    tpu.barrier barrier_id(%barrier3A)
    %mul3A_1 = arith.constant 160000 : i32
    %mul3A_2 = arith.muli %arg0, %mul3A_1 : i32
    %mul3A_3 = arith.constant 10000 : i32
    %mul3A_4 = arith.muli %arg1, %mul3A_3 : i32
    %add3A = arith.addi %mul3A_2, %mul3A_4 : i32
    %scan3A = arith.constant 0 : i32
    %scan3A_5 = arith.constant 125 : i32
    %scan3A_6 = arith.addi %scan3A, %scan3A_5 : i32
    %scan3A_7 = arith.constant 1 : i32
    scf.for %scan3A_10 = %scan3A to %scan3A_6 step %scan3A_7  : i32 {
      %mul3A_11 = arith.constant 1 : i32
      %mul3A_12 = arith.muli %scan3A_10, %mul3A_11 : i32
      %add3A_13 = arith.constant 0 : i32
      %add3A_14 = arith.addi %add3A_13, %mul3A_12 : i32
      %mul3A_15 = arith.constant 80 : i32
      %mul3A_16 = arith.muli %add3A_14, %mul3A_15 : i32
      %add3A_17 = arith.addi %add3A, %mul3A_16 : i32
      "tpu.region"() ({
        %run_scoped3A = tpu.sem_alloc : memref<!tpu.dma_semaphore, #tpu.memory_space<semaphore_mem>>
        %dma_start3A_27 = tpu.memref_slice %arg3[%add3A_17] : memref<320000xi32, #tpu.memory_space<hbm>> -> memref<80xi32, #tpu.memory_space<hbm>>
        %dma_start3A_28 = tpu.memref_slice %arg3[%add3A_17] : memref<320000xi32, #tpu.memory_space<hbm>> -> memref<80xi32, #tpu.memory_space<hbm>>
        tpu.enqueue_dma source(%dma_start3A_28 : memref<80xi32, #tpu.memory_space<hbm>>) target(%arg7 : memref<80xi32, #tpu.memory_space<vmem>>) target_semaphore(%run_scoped3A : memref<!tpu.dma_semaphore, #tpu.memory_space<semaphore_mem>>)
        %dma_wait3A_29 = tpu.memref_slice %arg3[%add3A_17] : memref<320000xi32, #tpu.memory_space<hbm>> -> memref<80xi32, #tpu.memory_space<hbm>>
        %dma_wait3A_30 = tpu.memref_slice %arg3[%add3A_17] : memref<320000xi32, #tpu.memory_space<hbm>> -> memref<80xi32, #tpu.memory_space<hbm>>
        tpu.wait_dma2 semaphore(%run_scoped3A : memref<!tpu.dma_semaphore, #tpu.memory_space<semaphore_mem>>) src(%dma_wait3A_30 : memref<80xi32, #tpu.memory_space<hbm>>) dst(%arg7 : memref<80xi32, #tpu.memory_space<vmem>>)
        tpu.yield
      }) : () -> ()
      %mul3A_18 = arith.constant 10000 : i32
      %mul3A_19 = arith.muli %arg1, %mul3A_18 : i32
      %mul3A_20 = arith.constant 80 : i32
      %mul3A_21 = arith.muli %add3A_14, %mul3A_20 : i32
      %add3A_22 = arith.addi %mul3A_19, %mul3A_21 : i32
      "tpu.region"() ({
        %run_scoped3A = tpu.sem_alloc : memref<!tpu.dma_semaphore, #tpu.memory_space<semaphore_mem>>
        %dma_start3A_27 = tpu.memref_slice %arg4[%add3A_22] : memref<160000xi32, #tpu.memory_space<hbm>> -> memref<80xi32, #tpu.memory_space<hbm>>
        %dma_start3A_28 = tpu.memref_slice %arg4[%add3A_22] : memref<160000xi32, #tpu.memory_space<hbm>> -> memref<80xi32, #tpu.memory_space<hbm>>
        tpu.enqueue_dma source(%dma_start3A_28 : memref<80xi32, #tpu.memory_space<hbm>>) target(%arg8 : memref<80xi32, #tpu.memory_space<vmem>>) target_semaphore(%run_scoped3A : memref<!tpu.dma_semaphore, #tpu.memory_space<semaphore_mem>>)
        %dma_wait3A_29 = tpu.memref_slice %arg4[%add3A_22] : memref<160000xi32, #tpu.memory_space<hbm>> -> memref<80xi32, #tpu.memory_space<hbm>>
        %dma_wait3A_30 = tpu.memref_slice %arg4[%add3A_22] : memref<160000xi32, #tpu.memory_space<hbm>> -> memref<80xi32, #tpu.memory_space<hbm>>
        tpu.wait_dma2 semaphore(%run_scoped3A : memref<!tpu.dma_semaphore, #tpu.memory_space<semaphore_mem>>) src(%dma_wait3A_30 : memref<80xi32, #tpu.memory_space<hbm>>) dst(%arg8 : memref<80xi32, #tpu.memory_space<vmem>>)
        tpu.yield
      }) : () -> ()
      %dma_start3A = arith.constant 0 : i32
      %dma_start3A_23 = arith.constant 0 : i32
      %dma_start3A_24 = tpu.memref_slice %arg2[%dma_start3A, %dma_start3A_23] : memref<20000x128xf32, #tpu.memory_space<hbm>> -> memref<20000x128xf32, #tpu.memory_space<hbm>>
      tpu.enqueue_indirect_dma source(%dma_start3A_24 : memref<20000x128xf32, #tpu.memory_space<hbm>>) target(%arg9 : memref<80x128xf32, #tpu.memory_space<vmem>>) offsets(%arg7 : memref<80xi32, #tpu.memory_space<vmem>>) semaphore(%arg11 : memref<!tpu.dma_semaphore, #tpu.memory_space<semaphore_mem>>)
      %dma_wait3A = arith.constant 0 : i32
      %dma_wait3A_25 = arith.constant 0 : i32
      %dma_wait3A_26 = tpu.memref_slice %arg2[%dma_wait3A, %dma_wait3A_25] : memref<20000x128xf32, #tpu.memory_space<hbm>> -> memref<20000x128xf32, #tpu.memory_space<hbm>>
      tpu.wait_indirect_dma semaphore(%arg11 : memref<!tpu.dma_semaphore, #tpu.memory_space<semaphore_mem>>) src(%dma_wait3A_26 : memref<20000x128xf32, #tpu.memory_space<hbm>>) dst(%arg9 : memref<80x128xf32, #tpu.memory_space<vmem>>)
      "tpu.region"() ({
        %run_scoped3A = tpu.sem_alloc : memref<!tpu.dma_semaphore, #tpu.memory_space<semaphore_mem>>
        %dma_start3A_27 = arith.constant 0 : i32
        %dma_start3A_28 = arith.constant 0 : i32
        %dma_start3A_29 = tpu.memref_slice %arg10[%dma_start3A_27, %dma_start3A_28] : memref<10240x128xf32, #tpu.memory_space<vmem_shared>> -> memref<10240x128xf32, #tpu.memory_space<vmem_shared>>
        tpu.enqueue_indirect_dma source(%arg9 : memref<80x128xf32, #tpu.memory_space<vmem>>) target(%dma_start3A_29 : memref<10240x128xf32, #tpu.memory_space<vmem_shared>>) offsets(%arg8 : memref<80xi32, #tpu.memory_space<vmem>>) semaphore(%run_scoped3A : memref<!tpu.dma_semaphore, #tpu.memory_space<semaphore_mem>>) {add = true}
        %dma_wait3A_30 = arith.constant 0 : i32
        %dma_wait3A_31 = arith.constant 0 : i32
        %dma_wait3A_32 = tpu.memref_slice %arg10[%dma_wait3A_30, %dma_wait3A_31] : memref<10240x128xf32, #tpu.memory_space<vmem_shared>> -> memref<10240x128xf32, #tpu.memory_space<vmem_shared>>
        tpu.wait_indirect_dma semaphore(%run_scoped3A : memref<!tpu.dma_semaphore, #tpu.memory_space<semaphore_mem>>) src(%arg9 : memref<80x128xf32, #tpu.memory_space<vmem>>) dst(%dma_wait3A_32 : memref<10240x128xf32, #tpu.memory_space<vmem_shared>>)
        tpu.yield
      }) : () -> ()
    }
    %scan3A_8 = arith.constant 125 : i32
    %barrier3A_9 = arith.constant 0 : index
    tpu.barrier barrier_id(%barrier3A_9)
    "tpu.region"() ({
      %run_scoped3A = tpu.sem_alloc : memref<!tpu.dma_semaphore, #tpu.memory_space<semaphore_mem>>
      %dma_start3A = arith.constant 0 : i32
      %dma_start3A_10 = tpu.memref_slice %arg6[%arg0, %mul3A_0, %dma_start3A] : memref<2x10240x128xf32, #tpu.memory_space<hbm>> -> memref<1x640x128xf32, #tpu.memory_space<hbm>>
      %dma_start3A_11 = tpu.memref_squeeze %dma_start3A_10 : memref<1x640x128xf32, #tpu.memory_space<hbm>> -> memref<640x128xf32, #tpu.memory_space<hbm>>
      %dma_start3A_12 = arith.constant 0 : i32
      %dma_start3A_13 = tpu.memref_slice %arg10[%mul3A_0, %dma_start3A_12] : memref<10240x128xf32, #tpu.memory_space<vmem_shared>> -> memref<640x128xf32, #tpu.memory_space<vmem_shared>>
      tpu.enqueue_dma source(%dma_start3A_13 : memref<640x128xf32, #tpu.memory_space<vmem_shared>>) target(%dma_start3A_11 : memref<640x128xf32, #tpu.memory_space<hbm>>) target_semaphore(%run_scoped3A : memref<!tpu.dma_semaphore, #tpu.memory_space<semaphore_mem>>)
      %dma_wait3A = arith.constant 0 : i32
      %dma_wait3A_14 = tpu.memref_slice %arg6[%arg0, %mul3A_0, %dma_wait3A] : memref<2x10240x128xf32, #tpu.memory_space<hbm>> -> memref<1x640x128xf32, #tpu.memory_space<hbm>>
      %dma_wait3A_15 = tpu.memref_squeeze %dma_wait3A_14 : memref<1x640x128xf32, #tpu.memory_space<hbm>> -> memref<640x128xf32, #tpu.memory_space<hbm>>
      %dma_wait3A_16 = arith.constant 0 : i32
      %dma_wait3A_17 = tpu.memref_slice %arg10[%mul3A_0, %dma_wait3A_16] : memref<10240x128xf32, #tpu.memory_space<vmem_shared>> -> memref<640x128xf32, #tpu.memory_space<vmem_shared>>
      tpu.wait_dma2 semaphore(%run_scoped3A : memref<!tpu.dma_semaphore, #tpu.memory_space<semaphore_mem>>) src(%dma_wait3A_17 : memref<640x128xf32, #tpu.memory_space<vmem_shared>>) dst(%dma_wait3A_15 : memref<640x128xf32, #tpu.memory_space<hbm>>)
      tpu.yield
    }) : () -> ()
    return
  }
}

#map = affine_map<(d0, d1) -> (0, 0)>
#map1 = affine_map<(d0, d1) -> (0)>
#map2 = affine_map<(d0, d1) -> (0, 0, 0)>
module attributes {stable_mosaic.version = 14 : i64} {
  func.func @k(%arg0: i32, %arg1: i32, %arg2: memref<20000x128xf32, #tpu.memory_space<hbm>>, %arg3: memref<320000xi32, #tpu.memory_space<hbm>>, %arg4: memref<160000xi32, #tpu.memory_space<hbm>>, %arg5: memref<640x128xf32, #tpu.memory_space<hbm>>, %arg6: memref<2x10240x128xf32, #tpu.memory_space<hbm>>, %arg7: memref<80xi32, #tpu.memory_space<vmem>>, %arg8: memref<80xi32, #tpu.memory_space<vmem>>, %arg9: memref<80x128xf32, #tpu.memory_space<vmem>>, %arg10: memref<10240x128xf32, #tpu.memory_space<vmem_shared>>, %arg11: memref<!tpu.dma_semaphore, #tpu.memory_space<semaphore_mem>>) attributes {dimension_semantics = [#tpu.dimension_semantics<core_parallel>, #tpu.dimension_semantics<subcore_parallel>], iteration_bounds = array<i64: 2, 16>, scalar_prefetch = 0 : i64, scratch_operands = 5 : i64, tpu.core_type = #tpu.core_type<sc_vector_subcore>, window_params = [{transform_indices = #map}, {transform_indices = #map1}, {transform_indices = #map1}, {transform_indices = #map}, {transform_indices = #map2}]} {
    %mul3A = arith.constant 640 : i32
    %mul3A_0 = arith.muli %arg1, %mul3A : i32
    "tpu.region"() ({
      %run_scoped3A = tpu.sem_alloc : memref<!tpu.dma_semaphore, #tpu.memory_space<semaphore_mem>>
      %dma_start3A = arith.constant 0 : i32
      %dma_start3A_10 = tpu.memref_slice %arg10[%mul3A_0, %dma_start3A] : memref<10240x128xf32, #tpu.memory_space<vmem_shared>> -> memref<640x128xf32, #tpu.memory_space<vmem_shared>>
      tpu.enqueue_dma source(%arg5 : memref<640x128xf32, #tpu.memory_space<hbm>>) target(%dma_start3A_10 : memref<640x128xf32, #tpu.memory_space<vmem_shared>>) target_semaphore(%run_scoped3A : memref<!tpu.dma_semaphore, #tpu.memory_space<semaphore_mem>>)
      %dma_wait3A = arith.constant 0 : i32
      %dma_wait3A_11 = tpu.memref_slice %arg10[%mul3A_0, %dma_wait3A] : memref<10240x128xf32, #tpu.memory_space<vmem_shared>> -> memref<640x128xf32, #tpu.memory_space<vmem_shared>>
      tpu.wait_dma2 semaphore(%run_scoped3A : memref<!tpu.dma_semaphore, #tpu.memory_space<semaphore_mem>>) src(%arg5 : memref<640x128xf32, #tpu.memory_space<hbm>>) dst(%dma_wait3A_11 : memref<640x128xf32, #tpu.memory_space<vmem_shared>>)
      tpu.yield
    }) : () -> ()
    %barrier3A = arith.constant 0 : index
    tpu.barrier barrier_id(%barrier3A)
    %mul3A_1 = arith.constant 160000 : i32
    %mul3A_2 = arith.muli %arg0, %mul3A_1 : i32
    %mul3A_3 = arith.constant 10000 : i32
    %mul3A_4 = arith.muli %arg1, %mul3A_3 : i32
    %add3A = arith.addi %mul3A_2, %mul3A_4 : i32
    %scan3A = arith.constant 0 : i32
    %scan3A_5 = arith.constant 125 : i32
    %scan3A_6 = arith.addi %scan3A, %scan3A_5 : i32
    %scan3A_7 = arith.constant 1 : i32
    scf.for %scan3A_10 = %scan3A to %scan3A_6 step %scan3A_7  : i32 {
      %mul3A_11 = arith.constant 1 : i32
      %mul3A_12 = arith.muli %scan3A_10, %mul3A_11 : i32
      %add3A_13 = arith.constant 0 : i32
      %add3A_14 = arith.addi %add3A_13, %mul3A_12 : i32
      %mul3A_15 = arith.constant 80 : i32
      %mul3A_16 = arith.muli %add3A_14, %mul3A_15 : i32
      %add3A_17 = arith.addi %add3A, %mul3A_16 : i32
      "tpu.region"() ({
        %run_scoped3A = tpu.sem_alloc : memref<!tpu.dma_semaphore, #tpu.memory_space<semaphore_mem>>
        %dma_start3A_27 = tpu.memref_slice %arg3[%add3A_17] : memref<320000xi32, #tpu.memory_space<hbm>> -> memref<80xi32, #tpu.memory_space<hbm>>
        %dma_start3A_28 = tpu.memref_slice %arg3[%add3A_17] : memref<320000xi32, #tpu.memory_space<hbm>> -> memref<80xi32, #tpu.memory_space<hbm>>
        tpu.enqueue_dma source(%dma_start3A_28 : memref<80xi32, #tpu.memory_space<hbm>>) target(%arg7 : memref<80xi32, #tpu.memory_space<vmem>>) target_semaphore(%run_scoped3A : memref<!tpu.dma_semaphore, #tpu.memory_space<semaphore_mem>>)
        %dma_wait3A_29 = tpu.memref_slice %arg3[%add3A_17] : memref<320000xi32, #tpu.memory_space<hbm>> -> memref<80xi32, #tpu.memory_space<hbm>>
        %dma_wait3A_30 = tpu.memref_slice %arg3[%add3A_17] : memref<320000xi32, #tpu.memory_space<hbm>> -> memref<80xi32, #tpu.memory_space<hbm>>
        tpu.wait_dma2 semaphore(%run_scoped3A : memref<!tpu.dma_semaphore, #tpu.memory_space<semaphore_mem>>) src(%dma_wait3A_30 : memref<80xi32, #tpu.memory_space<hbm>>) dst(%arg7 : memref<80xi32, #tpu.memory_space<vmem>>)
        tpu.yield
      }) : () -> ()
      %mul3A_18 = arith.constant 10000 : i32
      %mul3A_19 = arith.muli %arg1, %mul3A_18 : i32
      %mul3A_20 = arith.constant 80 : i32
      %mul3A_21 = arith.muli %add3A_14, %mul3A_20 : i32
      %add3A_22 = arith.addi %mul3A_19, %mul3A_21 : i32
      "tpu.region"() ({
        %run_scoped3A = tpu.sem_alloc : memref<!tpu.dma_semaphore, #tpu.memory_space<semaphore_mem>>
        %dma_start3A_27 = tpu.memref_slice %arg4[%add3A_22] : memref<160000xi32, #tpu.memory_space<hbm>> -> memref<80xi32, #tpu.memory_space<hbm>>
        %dma_start3A_28 = tpu.memref_slice %arg4[%add3A_22] : memref<160000xi32, #tpu.memory_space<hbm>> -> memref<80xi32, #tpu.memory_space<hbm>>
        tpu.enqueue_dma source(%dma_start3A_28 : memref<80xi32, #tpu.memory_space<hbm>>) target(%arg8 : memref<80xi32, #tpu.memory_space<vmem>>) target_semaphore(%run_scoped3A : memref<!tpu.dma_semaphore, #tpu.memory_space<semaphore_mem>>)
        %dma_wait3A_29 = tpu.memref_slice %arg4[%add3A_22] : memref<160000xi32, #tpu.memory_space<hbm>> -> memref<80xi32, #tpu.memory_space<hbm>>
        %dma_wait3A_30 = tpu.memref_slice %arg4[%add3A_22] : memref<160000xi32, #tpu.memory_space<hbm>> -> memref<80xi32, #tpu.memory_space<hbm>>
        tpu.wait_dma2 semaphore(%run_scoped3A : memref<!tpu.dma_semaphore, #tpu.memory_space<semaphore_mem>>) src(%dma_wait3A_30 : memref<80xi32, #tpu.memory_space<hbm>>) dst(%arg8 : memref<80xi32, #tpu.memory_space<vmem>>)
        tpu.yield
      }) : () -> ()
      %dma_start3A = arith.constant 0 : i32
      %dma_start3A_23 = arith.constant 0 : i32
      %dma_start3A_24 = tpu.memref_slice %arg2[%dma_start3A, %dma_start3A_23] : memref<20000x128xf32, #tpu.memory_space<hbm>> -> memref<20000x128xf32, #tpu.memory_space<hbm>>
      tpu.enqueue_indirect_dma source(%dma_start3A_24 : memref<20000x128xf32, #tpu.memory_space<hbm>>) target(%arg9 : memref<80x128xf32, #tpu.memory_space<vmem>>) offsets(%arg7 : memref<80xi32, #tpu.memory_space<vmem>>) semaphore(%arg11 : memref<!tpu.dma_semaphore, #tpu.memory_space<semaphore_mem>>)
      %dma_wait3A = arith.constant 0 : i32
      %dma_wait3A_25 = arith.constant 0 : i32
      %dma_wait3A_26 = tpu.memref_slice %arg2[%dma_wait3A, %dma_wait3A_25] : memref<20000x128xf32, #tpu.memory_space<hbm>> -> memref<20000x128xf32, #tpu.memory_space<hbm>>
      tpu.wait_indirect_dma semaphore(%arg11 : memref<!tpu.dma_semaphore, #tpu.memory_space<semaphore_mem>>) src(%dma_wait3A_26 : memref<20000x128xf32, #tpu.memory_space<hbm>>) dst(%arg9 : memref<80x128xf32, #tpu.memory_space<vmem>>)
      "tpu.region"() ({
        %run_scoped3A = tpu.sem_alloc : memref<!tpu.dma_semaphore, #tpu.memory_space<semaphore_mem>>
        %dma_start3A_27 = arith.constant 0 : i32
        %dma_start3A_28 = arith.constant 0 : i32
        %dma_start3A_29 = tpu.memref_slice %arg10[%dma_start3A_27, %dma_start3A_28] : memref<10240x128xf32, #tpu.memory_space<vmem_shared>> -> memref<10240x128xf32, #tpu.memory_space<vmem_shared>>
        tpu.enqueue_indirect_dma source(%arg9 : memref<80x128xf32, #tpu.memory_space<vmem>>) target(%dma_start3A_29 : memref<10240x128xf32, #tpu.memory_space<vmem_shared>>) offsets(%arg8 : memref<80xi32, #tpu.memory_space<vmem>>) semaphore(%run_scoped3A : memref<!tpu.dma_semaphore, #tpu.memory_space<semaphore_mem>>) {add = true}
        %dma_wait3A_30 = arith.constant 0 : i32
        %dma_wait3A_31 = arith.constant 0 : i32
        %dma_wait3A_32 = tpu.memref_slice %arg10[%dma_wait3A_30, %dma_wait3A_31] : memref<10240x128xf32, #tpu.memory_space<vmem_shared>> -> memref<10240x128xf32, #tpu.memory_space<vmem_shared>>
        tpu.wait_indirect_dma semaphore(%run_scoped3A : memref<!tpu.dma_semaphore, #tpu.memory_space<semaphore_mem>>) src(%arg9 : memref<80x128xf32, #tpu.memory_space<vmem>>) dst(%dma_wait3A_32 : memref<10240x128xf32, #tpu.memory_space<vmem_shared>>)
        tpu.yield
      }) : () -> ()
    }
    %scan3A_8 = arith.constant 125 : i32
    %barrier3A_9 = arith.constant 0 : index
    tpu.barrier barrier_id(%barrier3A_9)
    "tpu.region"() ({
      %run_scoped3A = tpu.sem_alloc : memref<!tpu.dma_semaphore, #tpu.memory_space<semaphore_mem>>
      %dma_start3A = arith.constant 0 : i32
      %dma_start3A_10 = tpu.memref_slice %arg6[%arg0, %mul3A_0, %dma_start3A] : memref<2x10240x128xf32, #tpu.memory_space<hbm>> -> memref<1x640x128xf32, #tpu.memory_space<hbm>>
      %dma_start3A_11 = tpu.memref_squeeze %dma_start3A_10 : memref<1x640x128xf32, #tpu.memory_space<hbm>> -> memref<640x128xf32, #tpu.memory_space<hbm>>
      %dma_start3A_12 = arith.constant 0 : i32
      %dma_start3A_13 = tpu.memref_slice %arg10[%mul3A_0, %dma_start3A_12] : memref<10240x128xf32, #tpu.memory_space<vmem_shared>> -> memref<640x128xf32, #tpu.memory_space<vmem_shared>>
      tpu.enqueue_dma source(%dma_start3A_13 : memref<640x128xf32, #tpu.memory_space<vmem_shared>>) target(%dma_start3A_11 : memref<640x128xf32, #tpu.memory_space<hbm>>) target_semaphore(%run_scoped3A : memref<!tpu.dma_semaphore, #tpu.memory_space<semaphore_mem>>)
      %dma_wait3A = arith.constant 0 : i32
      %dma_wait3A_14 = tpu.memref_slice %arg6[%arg0, %mul3A_0, %dma_wait3A] : memref<2x10240x128xf32, #tpu.memory_space<hbm>> -> memref<1x640x128xf32, #tpu.memory_space<hbm>>
      %dma_wait3A_15 = tpu.memref_squeeze %dma_wait3A_14 : memref<1x640x128xf32, #tpu.memory_space<hbm>> -> memref<640x128xf32, #tpu.memory_space<hbm>>
      %dma_wait3A_16 = arith.constant 0 : i32
      %dma_wait3A_17 = tpu.memref_slice %arg10[%mul3A_0, %dma_wait3A_16] : memref<10240x128xf32, #tpu.memory_space<vmem_shared>> -> memref<640x128xf32, #tpu.memory_space<vmem_shared>>
      tpu.wait_dma2 semaphore(%run_scoped3A : memref<!tpu.dma_semaphore, #tpu.memory_space<semaphore_mem>>) src(%dma_wait3A_17 : memref<640x128xf32, #tpu.memory_space<vmem_shared>>) dst(%dma_wait3A_15 : memref<640x128xf32, #tpu.memory_space<hbm>>)
      tpu.yield
    }) : () -> ()
    return
  }
}

module attributes {stable_mosaic.version = 14 : i64} {
  func.func @body(%arg0: i32, %arg1: memref<2x2000x128xf32, #tpu.memory_space<vmem>>, %arg2: memref<2x2000x128xf32, #tpu.memory_space<vmem>>, %arg3: memref<2000x128xf32, #tpu.memory_space<vmem>>, %arg4: memref<1x256xf32, #tpu.memory_space<vmem>>, %arg5: memref<256x256xf32, #tpu.memory_space<vmem>>, %arg6: memref<2x2000x128xf32, #tpu.memory_space<vmem>>) attributes {dimension_semantics = [#tpu.dimension_semantics<arbitrary>], iteration_bounds = array<i64: 5>, scalar_prefetch = 0 : i64, scratch_operands = 0 : i64, tpu.core_type = #tpu.core_type<tc>, window_params = [{transform_indices = @transform_0, window_bounds = array<i64: 2, 2000, 128>}, {transform_indices = @transform_1, window_bounds = array<i64: 2, 2000, 128>}, {transform_indices = @transform_2, window_bounds = array<i64: 2000, 128>}, {pipeline_mode = #tpu.pipeline_mode<synchronous>, transform_indices = @transform_3, window_bounds = array<i64: 1, 256>}, {pipeline_mode = #tpu.pipeline_mode<synchronous>, transform_indices = @transform_4, window_bounds = array<i64: 256, 256>}, {transform_indices = @transform_5, window_bounds = array<i64: 2, 2000, 128>}]} {
    %get3A = arith.constant 0 : index
    %get3A_0 = arith.constant 0 : index
    %get3A_1 = vector.load %arg3[%get3A, %get3A_0] : memref<2000x128xf32, #tpu.memory_space<vmem>>, vector<2000x128xf32>
    %get3A_2 = arith.constant 0 : index
    %get3A_3 = arith.constant 0 : index
    %get3A_4 = arith.constant 0 : index
    %get3A_5 = vector.load %arg1[%get3A_2, %get3A_3, %get3A_4] : memref<2x2000x128xf32, #tpu.memory_space<vmem>>, vector<1x2000x128xf32>
    %get3A_6 = vector.shape_cast %get3A_5 : vector<1x2000x128xf32> to vector<2000x128xf32>
    %get3A_7 = arith.constant 0 : index
    %get3A_8 = arith.constant 0 : index
    %get3A_9 = arith.constant 0 : index
    %get3A_10 = vector.load %arg2[%get3A_7, %get3A_8, %get3A_9] : memref<2x2000x128xf32, #tpu.memory_space<vmem>>, vector<1x2000x128xf32>
    %get3A_11 = vector.shape_cast %get3A_10 : vector<1x2000x128xf32> to vector<2000x128xf32>
    %add3A = arith.addf %get3A_6, %get3A_11 : vector<2000x128xf32>
    %mul3A = arith.mulf %get3A_1, %add3A : vector<2000x128xf32>
    %get3A_12 = arith.constant 0 : index
    %get3A_13 = arith.constant 0 : index
    %get3A_14 = vector.load %arg4[%get3A_12, %get3A_13] : memref<1x256xf32, #tpu.memory_space<vmem>>, vector<1x128xf32>
    %add3A_15 = vector.broadcast %get3A_14 : vector<1x128xf32> to vector<2000x128xf32>
    %add3A_16 = arith.addf %mul3A, %add3A_15 : vector<2000x128xf32>
    %get3A_17 = arith.constant 1 : index
    %get3A_18 = arith.constant 0 : index
    %get3A_19 = arith.constant 0 : index
    %get3A_20 = vector.load %arg1[%get3A_17, %get3A_18, %get3A_19] : memref<2x2000x128xf32, #tpu.memory_space<vmem>>, vector<1x2000x128xf32>
    %get3A_21 = vector.shape_cast %get3A_20 : vector<1x2000x128xf32> to vector<2000x128xf32>
    %get3A_22 = arith.constant 1 : index
    %get3A_23 = arith.constant 0 : index
    %get3A_24 = arith.constant 0 : index
    %get3A_25 = vector.load %arg2[%get3A_22, %get3A_23, %get3A_24] : memref<2x2000x128xf32, #tpu.memory_space<vmem>>, vector<1x2000x128xf32>
    %get3A_26 = vector.shape_cast %get3A_25 : vector<1x2000x128xf32> to vector<2000x128xf32>
    %add3A_27 = arith.addf %get3A_21, %get3A_26 : vector<2000x128xf32>
    %mul3A_28 = arith.mulf %get3A_1, %add3A_27 : vector<2000x128xf32>
    %get3A_29 = arith.constant 0 : index
    %get3A_30 = arith.constant 128 : index
    %get3A_31 = vector.load %arg4[%get3A_29, %get3A_30] : memref<1x256xf32, #tpu.memory_space<vmem>>, vector<1x128xf32>
    %add3A_32 = vector.broadcast %get3A_31 : vector<1x128xf32> to vector<2000x128xf32>
    %add3A_33 = arith.addf %mul3A_28, %add3A_32 : vector<2000x128xf32>
    %concatenate3A = tpu.concatenate %add3A_16, %add3A_33 in 1 : vector<2000x128xf32>, vector<2000x128xf32> -> vector<2000x256xf32>
    %max3A = arith.constant 0.000000e+00 : f32
    %max3A_34 = vector.broadcast %max3A : f32 to vector<2000x256xf32>
    %max3A_35 = arith.maximumf %concatenate3A, %max3A_34 : vector<2000x256xf32>
    %get3A_36 = arith.constant 0 : index
    %get3A_37 = arith.constant 0 : index
    %get3A_38 = vector.load %arg5[%get3A_36, %get3A_37] : memref<256x256xf32, #tpu.memory_space<vmem>>, vector<256x256xf32>
    %dot_general3A = arith.constant dense<0.000000e+00> : vector<2000x256xf32>
    %dot_general3A_39 = tpu.matmul %max3A_35, %get3A_38, %dot_general3A {dimension_numbers = #tpu.dot_dimension_numbers<[1], [0], [0], [1], [0, 0, 1, 1], [], []>, precision = #tpu.contract_precision<fp32>, transpose_lhs_hint = false} : vector<2000x256xf32>, vector<256x256xf32>, vector<2000x256xf32> -> vector<2000x256xf32>
    %slice3A = vector.extract_strided_slice %dot_general3A_39 {offsets = [0, 0], sizes = [2000, 128], strides = [1, 1]} : vector<2000x256xf32> to vector<2000x128xf32>
    %mul3A_40 = arith.mulf %slice3A, %get3A_1 : vector<2000x128xf32>
    %swap3A = arith.constant 0 : index
    %swap3A_41 = arith.constant 0 : index
    %swap3A_42 = arith.constant 0 : index
    %swap3A_43 = vector.load %arg6[%swap3A, %swap3A_41, %swap3A_42] : memref<2x2000x128xf32, #tpu.memory_space<vmem>>, vector<1x2000x128xf32>
    %swap3A_44 = vector.shape_cast %swap3A_43 : vector<1x2000x128xf32> to vector<2000x128xf32>
    %swap3A_45 = vector.shape_cast %mul3A_40 : vector<2000x128xf32> to vector<1x2000x128xf32>
    tpu.vector_store %arg6[%swap3A, %swap3A_41, %swap3A_42], %swap3A_45 {strides = array<i32>} : memref<2x2000x128xf32, #tpu.memory_space<vmem>>, vector<1x2000x128xf32>,
    %slice3A_46 = vector.extract_strided_slice %dot_general3A_39 {offsets = [0, 128], sizes = [2000, 128], strides = [1, 1]} : vector<2000x256xf32> to vector<2000x128xf32>
    %mul3A_47 = arith.mulf %slice3A_46, %get3A_1 : vector<2000x128xf32>
    %swap3A_48 = arith.constant 1 : index
    %swap3A_49 = arith.constant 0 : index
    %swap3A_50 = arith.constant 0 : index
    %swap3A_51 = vector.load %arg6[%swap3A_48, %swap3A_49, %swap3A_50] : memref<2x2000x128xf32, #tpu.memory_space<vmem>>, vector<1x2000x128xf32>
    %swap3A_52 = vector.shape_cast %swap3A_51 : vector<1x2000x128xf32> to vector<2000x128xf32>
    %swap3A_53 = vector.shape_cast %mul3A_47 : vector<2000x128xf32> to vector<1x2000x128xf32>
    tpu.vector_store %arg6[%swap3A_48, %swap3A_49, %swap3A_50], %swap3A_53 {strides = array<i32>} : memref<2x2000x128xf32, #tpu.memory_space<vmem>>, vector<1x2000x128xf32>,
    return
  }
  func.func @transform_0(%arg0: i32) -> (i32, i32, i32) {
    %c0_i32 = arith.constant 0 : i32
    %c0_i32_0 = arith.constant 0 : i32
    %c0_i32_1 = arith.constant 0 : i32
    return %c0_i32, %arg0, %c0_i32_0 : i32, i32, i32
  }
  func.func @transform_1(%arg0: i32) -> (i32, i32, i32) {
    %c0_i32 = arith.constant 0 : i32
    %c0_i32_0 = arith.constant 0 : i32
    %c0_i32_1 = arith.constant 0 : i32
    return %c0_i32, %arg0, %c0_i32_0 : i32, i32, i32
  }
  func.func @transform_2(%arg0: i32) -> (i32, i32) {
    %c0_i32 = arith.constant 0 : i32
    %c0_i32_0 = arith.constant 0 : i32
    return %arg0, %c0_i32 : i32, i32
  }
  func.func @transform_3(%arg0: i32) -> (i32, i32) {
    %c0_i32 = arith.constant 0 : i32
    %c0_i32_0 = arith.constant 0 : i32
    %c0_i32_1 = arith.constant 0 : i32
    return %c0_i32, %c0_i32_0 : i32, i32
  }
  func.func @transform_4(%arg0: i32) -> (i32, i32) {
    %c0_i32 = arith.constant 0 : i32
    %c0_i32_0 = arith.constant 0 : i32
    %c0_i32_1 = arith.constant 0 : i32
    return %c0_i32, %c0_i32_0 : i32, i32
  }
  func.func @transform_5(%arg0: i32) -> (i32, i32, i32) {
    %c0_i32 = arith.constant 0 : i32
    %c0_i32_0 = arith.constant 0 : i32
    %c0_i32_1 = arith.constant 0 : i32
    return %c0_i32, %arg0, %c0_i32_0 : i32, i32, i32
  }
}

module attributes {stable_mosaic.version = 14 : i64} {
  func.func @body(%arg0: i32, %arg1: memref<2000x256xf32, #tpu.memory_space<vmem>>, %arg2: memref<256x256xf32, #tpu.memory_space<vmem>>, %arg3: memref<2x2000x128xf32, #tpu.memory_space<vmem>>, %arg4: memref<2x2000x128xf32, #tpu.memory_space<vmem>>, %arg5: memref<2000x128xf32, #tpu.memory_space<vmem>>) attributes {dimension_semantics = [#tpu.dimension_semantics<arbitrary>], iteration_bounds = array<i64: 5>, scalar_prefetch = 0 : i64, scratch_operands = 0 : i64, tpu.core_type = #tpu.core_type<tc>, window_params = [{transform_indices = @transform_0, window_bounds = array<i64: 2000, 256>}, {pipeline_mode = #tpu.pipeline_mode<synchronous>, transform_indices = @transform_1, window_bounds = array<i64: 256, 256>}, {transform_indices = @transform_2, window_bounds = array<i64: 2, 2000, 128>}, {transform_indices = @transform_3, window_bounds = array<i64: 2, 2000, 128>}, {transform_indices = @transform_4, window_bounds = array<i64: 2000, 128>}]} {
    %get3A = arith.constant 0 : index
    %get3A_0 = arith.constant 0 : index
    %get3A_1 = vector.load %arg1[%get3A, %get3A_0] : memref<2000x256xf32, #tpu.memory_space<vmem>>, vector<2000x256xf32>
    %get3A_2 = arith.constant 0 : index
    %get3A_3 = arith.constant 0 : index
    %get3A_4 = vector.load %arg2[%get3A_2, %get3A_3] : memref<256x256xf32, #tpu.memory_space<vmem>>, vector<256x256xf32>
    %dot_general3A = arith.constant dense<0.000000e+00> : vector<2000x256xf32>
    %dot_general3A_5 = tpu.matmul %get3A_1, %get3A_4, %dot_general3A {dimension_numbers = #tpu.dot_dimension_numbers<[1], [0], [0], [1], [0, 0, 1, 1], [], []>, precision = #tpu.contract_precision<fp32>, transpose_lhs_hint = false} : vector<2000x256xf32>, vector<256x256xf32>, vector<2000x256xf32> -> vector<2000x256xf32>
    %get3A_6 = arith.constant 0 : index
    %get3A_7 = arith.constant 0 : index
    %get3A_8 = arith.constant 0 : index
    %get3A_9 = vector.load %arg3[%get3A_6, %get3A_7, %get3A_8] : memref<2x2000x128xf32, #tpu.memory_space<vmem>>, vector<1x2000x128xf32>
    %get3A_10 = vector.shape_cast %get3A_9 : vector<1x2000x128xf32> to vector<2000x128xf32>
    %get3A_11 = arith.constant 1 : index
    %get3A_12 = arith.constant 0 : index
    %get3A_13 = arith.constant 0 : index
    %get3A_14 = vector.load %arg3[%get3A_11, %get3A_12, %get3A_13] : memref<2x2000x128xf32, #tpu.memory_space<vmem>>, vector<1x2000x128xf32>
    %get3A_15 = vector.shape_cast %get3A_14 : vector<1x2000x128xf32> to vector<2000x128xf32>
    %add3A = arith.addf %get3A_10, %get3A_15 : vector<2000x128xf32>
    %add3A_16 = arith.constant 1.000000e+00 : f32
    %add3A_17 = vector.broadcast %add3A_16 : f32 to vector<2000x128xf32>
    %add3A_18 = arith.addf %add3A, %add3A_17 : vector<2000x128xf32>
    %rsqrt3A = math.rsqrt %add3A_18 : vector<2000x128xf32>
    %swap3A = arith.constant 0 : index
    %swap3A_19 = arith.constant 0 : index
    %swap3A_20 = vector.load %arg5[%swap3A, %swap3A_19] : memref<2000x128xf32, #tpu.memory_space<vmem>>, vector<2000x128xf32>
    tpu.vector_store %arg5[%swap3A, %swap3A_19], %rsqrt3A {strides = array<i32>} : memref<2000x128xf32, #tpu.memory_space<vmem>>, vector<2000x128xf32>,
    %slice3A = vector.extract_strided_slice %dot_general3A_5 {offsets = [0, 0], sizes = [2000, 128], strides = [1, 1]} : vector<2000x256xf32> to vector<2000x128xf32>
    %mul3A = arith.mulf %slice3A, %rsqrt3A : vector<2000x128xf32>
    %swap3A_21 = arith.constant 0 : index
    %swap3A_22 = arith.constant 0 : index
    %swap3A_23 = arith.constant 0 : index
    %swap3A_24 = vector.load %arg4[%swap3A_21, %swap3A_22, %swap3A_23] : memref<2x2000x128xf32, #tpu.memory_space<vmem>>, vector<1x2000x128xf32>
    %swap3A_25 = vector.shape_cast %swap3A_24 : vector<1x2000x128xf32> to vector<2000x128xf32>
    %swap3A_26 = vector.shape_cast %mul3A : vector<2000x128xf32> to vector<1x2000x128xf32>
    tpu.vector_store %arg4[%swap3A_21, %swap3A_22, %swap3A_23], %swap3A_26 {strides = array<i32>} : memref<2x2000x128xf32, #tpu.memory_space<vmem>>, vector<1x2000x128xf32>,
    %slice3A_27 = vector.extract_strided_slice %dot_general3A_5 {offsets = [0, 128], sizes = [2000, 128], strides = [1, 1]} : vector<2000x256xf32> to vector<2000x128xf32>
    %mul3A_28 = arith.mulf %slice3A_27, %rsqrt3A : vector<2000x128xf32>
    %swap3A_29 = arith.constant 1 : index
    %swap3A_30 = arith.constant 0 : index
    %swap3A_31 = arith.constant 0 : index
    %swap3A_32 = vector.load %arg4[%swap3A_29, %swap3A_30, %swap3A_31] : memref<2x2000x128xf32, #tpu.memory_space<vmem>>, vector<1x2000x128xf32>
    %swap3A_33 = vector.shape_cast %swap3A_32 : vector<1x2000x128xf32> to vector<2000x128xf32>
    %swap3A_34 = vector.shape_cast %mul3A_28 : vector<2000x128xf32> to vector<1x2000x128xf32>
    tpu.vector_store %arg4[%swap3A_29, %swap3A_30, %swap3A_31], %swap3A_34 {strides = array<i32>} : memref<2x2000x128xf32, #tpu.memory_space<vmem>>, vector<1x2000x128xf32>,
    return
  }
  func.func @transform_0(%arg0: i32) -> (i32, i32) {
    %c0_i32 = arith.constant 0 : i32
    %c0_i32_0 = arith.constant 0 : i32
    return %arg0, %c0_i32 : i32, i32
  }
  func.func @transform_1(%arg0: i32) -> (i32, i32) {
    %c0_i32 = arith.constant 0 : i32
    %c0_i32_0 = arith.constant 0 : i32
    %c0_i32_1 = arith.constant 0 : i32
    return %c0_i32, %c0_i32_0 : i32, i32
  }
  func.func @transform_2(%arg0: i32) -> (i32, i32, i32) {
    %c0_i32 = arith.constant 0 : i32
    %c0_i32_0 = arith.constant 0 : i32
    %c0_i32_1 = arith.constant 0 : i32
    return %c0_i32, %arg0, %c0_i32_0 : i32, i32, i32
  }
  func.func @transform_3(%arg0: i32) -> (i32, i32, i32) {
    %c0_i32 = arith.constant 0 : i32
    %c0_i32_0 = arith.constant 0 : i32
    %c0_i32_1 = arith.constant 0 : i32
    return %c0_i32, %arg0, %c0_i32_0 : i32, i32, i32
  }
  func.func @transform_4(%arg0: i32) -> (i32, i32) {
    %c0_i32 = arith.constant 0 : i32
    %c0_i32_0 = arith.constant 0 : i32
    return %arg0, %c0_i32 : i32, i32
  }
}

module attributes {stable_mosaic.version = 14 : i64} {
  func.func @body(%arg0: i32, %arg1: memref<2x2000x128xf32, #tpu.memory_space<vmem>>, %arg2: memref<2x2000x128xf32, #tpu.memory_space<vmem>>, %arg3: memref<2000x128xf32, #tpu.memory_space<vmem>>, %arg4: memref<1x256xf32, #tpu.memory_space<vmem>>, %arg5: memref<2000x256xf32, #tpu.memory_space<vmem>>) attributes {dimension_semantics = [#tpu.dimension_semantics<arbitrary>], iteration_bounds = array<i64: 5>, scalar_prefetch = 0 : i64, scratch_operands = 0 : i64, tpu.core_type = #tpu.core_type<tc>, window_params = [{transform_indices = @transform_0, window_bounds = array<i64: 2, 2000, 128>}, {transform_indices = @transform_1, window_bounds = array<i64: 2, 2000, 128>}, {transform_indices = @transform_2, window_bounds = array<i64: 2000, 128>}, {pipeline_mode = #tpu.pipeline_mode<synchronous>, transform_indices = @transform_3, window_bounds = array<i64: 1, 256>}, {transform_indices = @transform_4, window_bounds = array<i64: 2000, 256>}]} {
    %get3A = arith.constant 0 : index
    %get3A_0 = arith.constant 0 : index
    %get3A_1 = vector.load %arg3[%get3A, %get3A_0] : memref<2000x128xf32, #tpu.memory_space<vmem>>, vector<2000x128xf32>
    %get3A_2 = arith.constant 0 : index
    %get3A_3 = arith.constant 0 : index
    %get3A_4 = arith.constant 0 : index
    %get3A_5 = vector.load %arg1[%get3A_2, %get3A_3, %get3A_4] : memref<2x2000x128xf32, #tpu.memory_space<vmem>>, vector<1x2000x128xf32>
    %get3A_6 = vector.shape_cast %get3A_5 : vector<1x2000x128xf32> to vector<2000x128xf32>
    %get3A_7 = arith.constant 0 : index
    %get3A_8 = arith.constant 0 : index
    %get3A_9 = arith.constant 0 : index
    %get3A_10 = vector.load %arg2[%get3A_7, %get3A_8, %get3A_9] : memref<2x2000x128xf32, #tpu.memory_space<vmem>>, vector<1x2000x128xf32>
    %get3A_11 = vector.shape_cast %get3A_10 : vector<1x2000x128xf32> to vector<2000x128xf32>
    %add3A = arith.addf %get3A_6, %get3A_11 : vector<2000x128xf32>
    %mul3A = arith.mulf %get3A_1, %add3A : vector<2000x128xf32>
    %get3A_12 = arith.constant 0 : index
    %get3A_13 = arith.constant 0 : index
    %get3A_14 = vector.load %arg4[%get3A_12, %get3A_13] : memref<1x256xf32, #tpu.memory_space<vmem>>, vector<1x128xf32>
    %add3A_15 = vector.broadcast %get3A_14 : vector<1x128xf32> to vector<2000x128xf32>
    %add3A_16 = arith.addf %mul3A, %add3A_15 : vector<2000x128xf32>
    %get3A_17 = arith.constant 1 : index
    %get3A_18 = arith.constant 0 : index
    %get3A_19 = arith.constant 0 : index
    %get3A_20 = vector.load %arg1[%get3A_17, %get3A_18, %get3A_19] : memref<2x2000x128xf32, #tpu.memory_space<vmem>>, vector<1x2000x128xf32>
    %get3A_21 = vector.shape_cast %get3A_20 : vector<1x2000x128xf32> to vector<2000x128xf32>
    %get3A_22 = arith.constant 1 : index
    %get3A_23 = arith.constant 0 : index
    %get3A_24 = arith.constant 0 : index
    %get3A_25 = vector.load %arg2[%get3A_22, %get3A_23, %get3A_24] : memref<2x2000x128xf32, #tpu.memory_space<vmem>>, vector<1x2000x128xf32>
    %get3A_26 = vector.shape_cast %get3A_25 : vector<1x2000x128xf32> to vector<2000x128xf32>
    %add3A_27 = arith.addf %get3A_21, %get3A_26 : vector<2000x128xf32>
    %mul3A_28 = arith.mulf %get3A_1, %add3A_27 : vector<2000x128xf32>
    %get3A_29 = arith.constant 0 : index
    %get3A_30 = arith.constant 128 : index
    %get3A_31 = vector.load %arg4[%get3A_29, %get3A_30] : memref<1x256xf32, #tpu.memory_space<vmem>>, vector<1x128xf32>
    %add3A_32 = vector.broadcast %get3A_31 : vector<1x128xf32> to vector<2000x128xf32>
    %add3A_33 = arith.addf %mul3A_28, %add3A_32 : vector<2000x128xf32>
    %concatenate3A = tpu.concatenate %add3A_16, %add3A_33 in 1 : vector<2000x128xf32>, vector<2000x128xf32> -> vector<2000x256xf32>
    %swap3A = arith.constant 0 : index
    %swap3A_34 = arith.constant 0 : index
    %swap3A_35 = vector.load %arg5[%swap3A, %swap3A_34] : memref<2000x256xf32, #tpu.memory_space<vmem>>, vector<2000x256xf32>
    tpu.vector_store %arg5[%swap3A, %swap3A_34], %concatenate3A {strides = array<i32>} : memref<2000x256xf32, #tpu.memory_space<vmem>>, vector<2000x256xf32>,
    return
  }
  func.func @transform_0(%arg0: i32) -> (i32, i32, i32) {
    %c0_i32 = arith.constant 0 : i32
    %c0_i32_0 = arith.constant 0 : i32
    %c0_i32_1 = arith.constant 0 : i32
    return %c0_i32, %arg0, %c0_i32_0 : i32, i32, i32
  }
  func.func @transform_1(%arg0: i32) -> (i32, i32, i32) {
    %c0_i32 = arith.constant 0 : i32
    %c0_i32_0 = arith.constant 0 : i32
    %c0_i32_1 = arith.constant 0 : i32
    return %c0_i32, %arg0, %c0_i32_0 : i32, i32, i32
  }
  func.func @transform_2(%arg0: i32) -> (i32, i32) {
    %c0_i32 = arith.constant 0 : i32
    %c0_i32_0 = arith.constant 0 : i32
    return %arg0, %c0_i32 : i32, i32
  }
  func.func @transform_3(%arg0: i32) -> (i32, i32) {
    %c0_i32 = arith.constant 0 : i32
    %c0_i32_0 = arith.constant 0 : i32
    %c0_i32_1 = arith.constant 0 : i32
    return %c0_i32, %c0_i32_0 : i32, i32
  }
  func.func @transform_4(%arg0: i32) -> (i32, i32) {
    %c0_i32 = arith.constant 0 : i32
    %c0_i32_0 = arith.constant 0 : i32
    return %arg0, %c0_i32 : i32, i32
  }
}

</mosaic_0001>

<sc_bundles>
// kernel: kernel.14.cloned.1.call-start
scs
__scs_entry_jumppad:
0x0: {  	(pc) =	sbr.rel $0x88, $3  }
0x1: {  	(tag) =	ssettag $0x0;
	lr =	simm.s32 $0x1  }
0x2: {  	[smem:$0x3F95] =	sst lr;
	_ =	strace $0xD0000000  }
0x3: {  	_ = 	snop  }
0x4: {  	_ = 	snop  }
0x5: {  	_ = 	snop  }
0x6: {  	_ = 	snop  }
0x7: {  	_ = 	snop  }
__scs_overlays_trampoline_lowered:
0x8: {  	[smem:$0x3FA4] =	sst s0  }
0x9: {  	[smem:$0x3FA5] =	sst s1  }
0xa: {  	[smem:$0x3FA6] =	sst s2  }
0xb: {  	[smem:$0x3FA7] =	sst s3  }
0xc: {  	[smem:$0x3FA8] =	sst s4  }
0xd: {  	[smem:$0x3FA9] =	sst s5  }
0xe: {  	[smem:$0x3FAA] =	sst s6  }
0xf: {  	[smem:$0x3FAB] =	sst s7  }
0x10: {  	[smem:$0x3FAC] =	sst s8  }
0x11: {  	[smem:$0x3FAD] =	sst s9;
	s0 =	simm.s32 @!p0 $0x0  }
0x12: {  	s1 =	sld [smem:$0x3F93];
	s0 =	simm.s32 @p0 $0x1  }
0x13: {  	[smem:$0x3FAE] =	sst s0;
	s0 =	simm.s32 @!p1 $0x0  }
0x14: {  	s2 =	sld [smem:$0x3F92];
	s0 =	simm.s32 @p1 $0x1  }
0x15: {  	[smem:$0x3FAF] =	sst s0;
	s0 =	simm.s32 @!p2 $0x0  }
0x16: {  	s3 =	sld [smem:$0x3FDB];
	s0 =	simm.s32 @p2 $0x1  }
0x17: {  	s4 =	simm.s32 $0x1BF5;
	[smem:$0x3FB1] =	sst s0  }
0x18: {  	s0 =	sld [smem:$0x3F94];
	_ =	swait.ge [sflag:s4], $0x0  }
0x19: {  	s7 =	sld [smem:$0x3F95]  }
0x1a: {  	s8 =	sadd.s32 $0xFFFFE003, lr  }
0x1b: {  	s9 =	sadd.s32 $0xFFFFFEF7, lr;
	s5 =	simm.s32 $0xFFFFFFFF;
	p2 =	slt.u32 s8, $0xFFFFF086  }
0x1c: {  	p1 =	slt.u32 s9, $0xF7A;
	s5 =	simm.s32 @!p2 $0x0  }
0x1d: {  	s5 =	simm.s32 @p1 $0x1;
	p0 =	seq.s32 s7, s2  }
0x1e: {  	s7 =	smul.u32 @!p0 $0xF7A, s2;
	p2 =	seq.s32 @!p0 s5, $0x0  }
0x1f: {  	s9 =	smul.u32 $0xF7A, s1;
	s8 =	simm.s32 @!p0 $0x1BF5;
	p2 =	por !p2, p0  }
0x20: {  	[sflag:s8] =	ssyncset.s32 @!p0 $0xFFFFF086;
	s6 =	sadd.s32 @!p0 s3, s7;
	s7 =	simm.s32 @!p0 $0x108  }
0x21: {  	s3 =	sadd.s32 s3, s9;
	s6 =	sadd.s32 @!p0 $0x88, s6;
	s7 =	simm.s32 @p2 $0x1082  }
0x22: {  	[simem:s7], [sflag:s8] =	dma.local @!p0 [hbm:s6], $0xF7A  }
0x23: {  	s9 =	sor.u32 $0xD0000000, s2;
	s6 =	simm.s32 $0x108;
	_ =	swait.ge @!p0 [sflag:s8], $0x0  }
0x24: {  	s3 =	sadd.s32 $0x88, s3;
	s6 =	simm.s32 @!p1 $0x1082;
	[sflag:s4] =	ssyncset.s32 $0xFFFFF086  }
0x25: {  	[simem:s6], [sflag:s4] =	dma.local [hbm:s3], $0xF7A  }
0x26: {  	[smem:$0x3F95] =	sst s1;
	(tag) =	ssettag s2;
	_ =	strace s9  }
0x27: {  	s1 =	sld [smem:$0x3FA5]  }
0x28: {  	s2 =	sld [smem:$0x3FA6]  }
0x29: {  	s4 =	sld [smem:$0x3FA8]  }
0x2a: {  	p0 =	seq.s32 s5, $0x0;
	s5 =	sld [smem:$0x3FA9]  }
0x2b: {  	s6 =	sld [smem:$0x3FAA]  }
0x2c: {  	s7 =	sld [smem:$0x3FAB]  }
0x2d: {  	s3 =	simm.s32 $0x108;
	s8 =	sld [smem:$0x3FAC]  }
0x2e: {  	s3 =	simm.s32 @!p0 $0x1082;
	s9 =	sld [smem:$0x3FAD]  }
0x2f: {  	lr =	sadd.s32 s0, s3;
	s0 =	sld [smem:$0x3FA4]  }
0x30: {  	s3 =	sld [smem:$0x3FA7]  }
0x31: {  	[smem:$0x3FB0] =	sst s10  }
0x32: {  	s10 =	sld [smem:$0x3FAE];
	_ =	sdelay $0x3  }
0x33: {  	p0 =	seq.s32 s10, $0x1;
	s10 =	sld [smem:$0x3FB0];
	_ =	sdelay $0x3  }
0x34: {  	[smem:$0x3FB0] =	sst s10  }
0x35: {  	s10 =	sld [smem:$0x3FAF];
	_ =	sdelay $0x3  }
0x36: {  	p1 =	seq.s32 s10, $0x1;
	s10 =	sld [smem:$0x3FB0];
	_ =	sdelay $0x3  }
0x37: {  	[smem:$0x3FB0] =	sst s10  }
0x38: {  	s10 =	sld [smem:$0x3FB1]  }
0x39: {  	_ = 	snop;
	(pc) =	sbr.ind lr, $3  }
0x3a: {  	_ = 	snop  }
0x3b: {  	_ = 	snop  }
0x3c: {  	p2 =	seq.s32 s10, $0x1;
	s10 =	sld [smem:$0x3FB0]  }
0x3d: {  	_ =	shalt  }
0x3e: {  	_ =	shalt  }
0x3f: {  	_ =	shalt  }
0x40: {  	_ =	shalt  }
0x41: {  	_ =	shalt  }
0x42: {  	_ =	shalt  }
0x43: {  	_ =	shalt  }
0x44: {  	_ =	shalt  }
0x45: {  	_ =	shalt  }
0x46: {  	_ =	shalt  }
0x47: {  	_ =	shalt  }
0x48: {  	_ =	shalt  }
0x49: {  	_ =	shalt  }
0x4a: {  	_ =	shalt  }
0x4b: {  	_ =	shalt  }
0x4c: {  	_ =	shalt  }
0x4d: {  	_ =	shalt  }
0x4e: {  	_ =	shalt  }
0x4f: {  	_ =	shalt  }
0x50: {  	_ =	shalt  }
0x51: {  	_ =	shalt  }
0x52: {  	_ =	shalt  }
0x53: {  	_ =	shalt  }
0x54: {  	_ =	shalt  }
0x55: {  	_ =	shalt  }
0x56: {  	_ =	shalt  }
0x57: {  	_ =	shalt  }
0x58: {  	_ =	shalt  }
0x59: {  	_ =	shalt  }
0x5a: {  	_ =	shalt  }
0x5b: {  	_ =	shalt  }
0x5c: {  	_ =	shalt  }
0x5d: {  	_ =	shalt  }
0x5e: {  	_ =	shalt  }
0x5f: {  	_ =	shalt  }
0x60: {  	_ =	shalt  }
0x61: {  	_ =	shalt  }
0x62: {  	_ =	shalt  }
0x63: {  	_ =	shalt  }
0x64: {  	_ =	shalt  }
0x65: {  	_ =	shalt  }
0x66: {  	_ =	shalt  }
0x67: {  	_ =	shalt  }
0x68: {  	_ =	shalt  }
0x69: {  	_ =	shalt  }
0x6a: {  	_ =	shalt  }
0x6b: {  	_ =	shalt  }
0x6c: {  	_ =	shalt  }
0x6d: {  	_ =	shalt  }
0x6e: {  	_ =	shalt  }
0x6f: {  	_ =	shalt  }
0x70: {  	_ =	shalt  }
0x71: {  	_ =	shalt  }
0x72: {  	_ =	shalt  }
0x73: {  	_ =	shalt  }
0x74: {  	_ =	shalt  }
0x75: {  	_ =	shalt  }
0x76: {  	_ =	shalt  }
0x77: {  	_ =	shalt  }
0x78: {  	_ =	shalt  }
0x79: {  	_ =	shalt  }
0x7a: {  	_ =	shalt  }
0x7b: {  	_ =	shalt  }
0x7c: {  	_ =	shalt  }
0x7d: {  	_ =	shalt  }
0x7e: {  	_ =	shalt  }
0x7f: {  	_ =	shalt  }
0x80: {  	_ =	shalt  }
0x81: {  	_ =	shalt  }
0x82: {  	_ =	shalt  }
0x83: {  	_ =	shalt  }
0x84: {  	_ =	shalt  }
0x85: {  	_ =	shalt  }
0x86: {  	_ =	shalt  }
0x87: {  	_ =	shalt  }
.Lfunc_end0:
.L_simem_size_0:
called_computation_lowered:
.L_overlay_start_0:
0x88: {  	s2 =	sld [smem:$0x3FD9]  }
0x89: {  	s3 =	sld [smem:$0x3FFE];
	_ =	sdelay $0x1  }
0x8a: {  	s1 =	srdreg.scid  }
0x8b: {  	s0 =	sand.u32 $0x1, s1  }
0x8c: {  	s17 =	sshll.u32 s0, $0xA;
	s2 =	sadd.s32 s3, s2  }
0x8d: {  	s2 =	sadd.s32 s2, s17  }
0x8e: {  	[smem:$0x3FBC] =	sst s2  }
0x8f: {  	_ = 	snop  }
0x90: {  	s2 =	sld [smem:$0x3FD0];
	(tm) =	ssettm $0x1  }
0x91: {  	s18 =	sld [smem:$0x3FFB];
	_ =	sdelay $0x3  }
0x92: {  	_ =	strace s18  }
0x93: {  	s3 =	sld [smem:$0x3FFC];
	_ =	sdelay $0x3  }
0x94: {  	_ =	strace s3  }
0x95: {  	s3 =	sld [smem:$0x3FFD];
	_ =	sdelay $0x3  }
0x96: {  	_ =	strace s3  }
0x97: {  	_ =	strace $0x8FFFFFFF  }
0x98: {  	s19 =	sld [smem:$0x3FDB];
	_ =	sdelay $0x1  }
0x99: {  	s4 =	simm.s32 $_scs_section_size  }
0x9a: {  	s5 =	simm.s32 $_size__tile_overlayer_lowered;
	s6 =	simm.s32 $_tile_overlayer_lowered  }
0x9b: {  	s22 =	simm.s32 $0x1BFF;
	s21 =	sshll.u32 s6, $0x1;
	s3 =	sadd.s32 s4, s19  }
0x9c: {  	s7 =	simm.s32 $0x0;
	s20 =	sshll.u32 s5, $0x1;
	s5 =	sadd.s32 s21, s3  }
0x9d: {  	[timem:s7], [sflag:s22] =	dma.local [hbm:s5], s20  }
0x9e: {  	_ =	swait.ge [sflag:s22], s20  }
0x9f: {  	s4 =	ssub.s32 $0x0, s20;
	[sflag:s22] =	ssyncset.done $0x0  }
0xa0: {  	[sflag:s22] =	ssyncadd.s32 s4;
	_ =	sdelay $0x1  }
0xa1: {  	s23 =	simm.s32 $0x1B8B  }
0xa2: {  	_ =	swait.ge [sflag:s23], $0x1  }
0xa3: {  	[sflag:s23] =	ssyncset.done $0x0  }
0xa4: {  	s25 =	simm.s32 $0x1B8E;
	s24 =	sld [smem:$0x3FFE];
	[sflag:s23] =	ssyncadd.s32 $0xFFFFFFFF  }
0xa5: {  	s26 =	simm.s32 $execute0_lowered;
	[smem:$0x3FD2] =	sst s25  }
0xa6: {  	s5 =	sshll.u32 s26, $0x1;
	_ =	strace $0x80000046;
	[dreg:$0x1] =	wrdreg $0xFFFFFFFF  }
0xa7: {  	s28 =	simm.s32 $_size_execute0_lowered;
	s3 =	sadd.s32 s3, s5;
	[dreg:$0x0] =	wrdreg $0x0  }
0xa8: {  	s5 =	sshll.u32 s28, $0x1;
	[dreg:$0x2] =	wrdreg s3  }
0xa9: {  	[dreg:$0x3] =	wrdreg s5  }
0xaa: {  	[dreg:$0x4] =	wrdreg $0xC0  }
0xab: {  	_ =	task [dreg:s7], $0x5FFFF  }
0xac: {  	[dreg:$0x1] =	wrdreg $0xFFFFFFFF  }
0xad: {  	[dreg:$0x0] =	wrdreg $0x60  }
0xae: {  	[dreg:$0x2] =	wrdreg s24  }
0xaf: {  	[dreg:$0x3] =	wrdreg s2  }
0xb0: {  	[dreg:$0x4] =	wrdreg $0x14800  }
0xb1: {  	[dreg:$0x5] =	wrdreg $0x9  }
0xb2: {  	_ =	task.clear_ibuf [dreg:s7], $0x6FFFF;
	_ =	strace $0x90000046  }
0xb3: {  	s29 =	simm.s32 $0x9;
	_ =	strace $0x80000048  }
0xb4: {  	_ =	swait.ge [sflag:s29], $0x1  }
0xb5: {  	[sflag:s29] =	ssyncadd.s32 $0xFFFFFFFF  }
0xb6: {  	_ =	strace $0x90000048  }
0xb7: {  	_ =	sfence  }
0xb8: {  	s30 =	sld [smem:$0x0];
	_ =	sdelay $0x2  }
0xb9: {  	s31 =	sshll.u32 s1, $0xD;
	s1 =	sshrl.u32 s1, $0x2  }
0xba: {  	s3 =	sand.u32 $0x4000, s31;
	s1 =	sadd.s32 s1, s30  }
0xbb: {  	s0 =	sor.u32 s3, s0;
	s1 =	sshll.u32 s1, $0x11  }
0xbc: {  	s0 =	sor.u32 s1, s0  }
0xbd: {  	s0 =	sadd.s32 $0x8F2B, s0  }
0xbe: {  	[sflag:s0] =	ssyncadd.remote.s32 $0x1  }
0xbf: {  	_ =	sfence.sel $0xFFFF  }
0xc0: {  	[dreg:$0x0] =	wrdreg $0xFFFFFFFF;
	(pc) =	sbr.abs _section_cstart, $3  }
0xc1: {  	[dreg:$0x1] =	wrdreg $0xFFFFFFFF  }
0xc2: {  	_ =	task.clear_ibuf [dreg:s7], $0x2FFFF;
	_ =	strace $0x9FFFFFFF  }
0xc3: {  	(tm) =	ssettm $0x7FFFFFFF  }
tec
execute0_lowered:
.L_overlay_start_1:
0x0: {  	(tag) =	ssettag $0x1  }
0x1: {  	s6 =	rddreg [dreg:$0x0]  }
0x2: {  	s0 =	srdreg.scid;
	s2 =	rddreg [dreg:$0x1]  }
0x3: {  	s3 =	rddreg [dreg:$0x2];
	s7 =	sand.u32 $0x1, s0  }
0x4: {  	s0 =	stileid.u32;
	s5 =	smul.u32 $0x13880, s7  }
0x5: {  	s1 =	rddreg [dreg:$0x3];
	s4 =	simm.s32 $0x0;
	s8 =	smul.u32 $0x1388, s0  }
0x6: {  	s13 =	simm.s32 $0x28;
	[smem:$0x7FF] =	sst s4;
	s9 =	smul.u32 $0x140000, s7  }
0x7: {  	s14 =	simm.s32 $0x0;
	s28 =	smul.u32 $0x14000, s0;
	_ =	strace $0x80000047  }
0x8: {  	s29 =	smul.u32 $0x50000, s0;
	s7 =	ssub.s32 $0x2, s7;
	s31 =	sshll.u32 s0, $0x6  }
0x9: {  	s30 =	sshrl.u32 s7, $0x1;
	s5 =	sadd.s32 s8, s5;
	s8 =	sadd.s32 s28, s9  }
0xa: {  	s9 =	sshrl.u32 s29, $0x2;
	s11 =	ssub.s32 s7, s30;
	s5 =	sshrl.u32 s5, $0x3  }
0xb: {  	s8 =	sshrl.u32 s8, $0x3;
	s12 =	sadd.s32 s9, s3;
	s10 =	sadd.s32 s5, s6  }
0xc: {  	s5 =	sadd.s32 $0x8200, s6;
	s8 =	sadd.s32 s8, s6;
	s6 =	sor.u32 $0x1C01, s31  }
0xd: {  	s7 =	sadd.s32 $0xAA00, s8;
	s8 =	smax.u32 s11, $0x1;
	s9 =	sadd.s32 $0x3200, s10  }
0xe: {  	s10 =	sshrl.u32 s12, $0x3;
	s11 =	simm.s32 $0x1;
	s12 =	simm.s32 $0x80  }
.LBB2_1:
0xf: {  	[spmem:s10], [sflag:s6] =	dma.local [hbm:s5], $0x2800  }
0x10: {  	_ =	swait.ge [sflag:s11], $0x2800  }
0x11: {  	[sflag:s11] =	ssyncset.done $0x0  }
0x12: {  	[sflag:s11] =	ssyncadd.s32 $0xFFFFD800  }
0x13: {  	[tilespmem:s12], [sflag:$0x1] =	stream.linear.gather [hbm4b:s2+s4], $0x1400, $0x38;
	[tilespmem:$0x15480] =	vst v63  }
0x14: {  	_ =	swait.ge [sflag:s11], $0x1400  }
0x15: {  	[sflag:s11] =	ssyncset.done $0x0  }
0x16: {  	[sflag:s11] =	ssyncadd.s32 $0xFFFFEC00  }
0x17: {  	s15 =	sadd.s32 $0x0, s9;
	[bflag:$0x0] =	sbarrier.arrive $0xFFFF  }
0x18: {  	[tilespmem:s4], [sflag:$0x1] =	stream.linear.gather [hbm4b:s15+s4], $0x28, $0x38;
	[tilespmem:$0x15480] =	vst v63  }
0x19: {  	_ =	swait.ge [sflag:s11], $0x28  }
0x1a: {  	[sflag:s11] =	ssyncset.done $0x0  }
0x1b: {  	[sflag:s11] =	ssyncadd.s32 $0xFFFFFFD8  }
0x1c: {  	[spmem:s3] =	stream.indirect.scatter.add.f32 [tilespmem:s12], [sflag:$0x1], $0x80, s4, s13, $0xb8;
	[tilespmem:$0x15480] =	vst v63  }
0x1d: {  	_ =	swait.ge [sflag:s11], $0x1400  }
0x1e: {  	s16 =	simm.s32 $0xA;
	s15 =	simm.s32 $0x5;
	[sflag:s11] =	ssyncset.done $0x0  }
.LBB2_2:
0x1f: {  	s17 =	sadd.s32 s15, s9  }
0x20: {  	[sflag:s11] =	ssyncadd.s32 $0xFFFFEC00;
	s15 =	smov.u32 s16;
	s18 =	sadd.s32 $0x5, s16  }
0x21: {  	[tilespmem:s4], [sflag:$0x1] =	stream.linear.gather [hbm4b:s17+s4], $0x28, $0x38;
	[tilespmem:$0x15480] =	vst v63  }
0x22: {  	p0 =	sne.s32 s16, $0x26C;
	_ =	swait.ge [sflag:s11], $0x28  }
.Ltmp0:
0x23: {  	[sflag:s11] =	ssyncset.done $0x0;
	(pc) =	sbr.rel @p0 .LBB2_2-.Ltmp0, $4  }
0x24: {  	[sflag:s11] =	ssyncadd.s32 $0xFFFFFFD8  }
0x25: {  	[spmem:s3] =	stream.indirect.scatter.add.f32 [tilespmem:s12], [sflag:$0x1], $0x80, s4, s13, $0xb8;
	[tilespmem:$0x15480] =	vst v63  }
0x26: {  	_ =	swait.ge [sflag:s11], $0x1400  }
0x27: {  	s16 =	smov.u32 s18;
	[sflag:s11] =	ssyncset.done $0x0  }
0x28: {  	s15 =	sadd.s32 s15, s9;
	[sflag:s11] =	ssyncadd.s32 $0xFFFFEC00  }
0x29: {  	[tilespmem:s4], [sflag:$0x1] =	stream.linear.gather [hbm4b:s15+s4], $0x28, $0x38;
	[tilespmem:$0x15480] =	vst v63  }
0x2a: {  	_ =	swait.ge [sflag:s11], $0x28  }
0x2b: {  	[sflag:s11] =	ssyncset.done $0x0  }
0x2c: {  	[sflag:s11] =	ssyncadd.s32 $0xFFFFFFD8  }
0x2d: {  	[spmem:s3] =	stream.indirect.scatter.add.f32 [tilespmem:s12], [sflag:$0x1], $0x80, s4, s13, $0xb8;
	[tilespmem:$0x15480] =	vst v63  }
0x2e: {  	_ =	swait.ge [sflag:s11], $0x1400  }
0x2f: {  	s14 =	sadd.s32 $0x1, s14;
	[sflag:s11] =	ssyncset.done $0x0  }
0x30: {  	p0 =	sne.s32 s14, s8;
	[sflag:s11] =	ssyncadd.s32 $0xFFFFEC00  }
.Ltmp1:
0x31: {  	[bflag:$0x0] =	sbarrier.arrive $0xFFFF;
	(pc) =	sbr.rel @p0 .LBB2_1-.Ltmp1, $4  }
0x32: {  	[hbm:s7], [sflag:s6] =	dma.local [spmem:s10], $0x2800  }
0x33: {  	_ =	swait.ge [sflag:s11], $0x2800  }
0x34: {  	[sflag:s11] =	ssyncset.done $0x0  }
0x35: {  	[sflag:s11] =	ssyncadd.s32 $0xFFFFD800  }
0x36: {  	_ =	sfence.sel $0x180000  }
0x37: {  	[bflag:$0x0] =	sbarrier.arrive $0xFFFF  }
0x38: {  	p0 =	sne.s32 s0, $0x0;
	_ =	strace $0x90000047  }
0x39: {  	s0 =	sadd.s32 @!p0 $0x100000, s1;
	[bflag:$0x2] =	sbarrier.arrive $0xFFFF  }
0x3a: {  	[sflag:s0] =	ssyncadd.tile.s32 @!p0 $0x1;
	_ =	shalt  }
.Lfunc_end2:
_tile_overlayer_lowered:
.L_overlay_start_2:
0x3b: {  	(tag) =	ssettag $0x2  }
0x3c: {  	s0 =	rddreg [dreg:$0x0];
	s2 =	stileid.u32  }
0x3d: {  	s1 =	rddreg [dreg:$0x1];
	p0 =	sne.s32 s2, $0x0  }
0x3e: {  	s3 =	rddreg [dreg:$0x2];
	[bflag:$0x3] =	sbarrier.arrive $0xFFFF;
	s2 =	simm.s32 @!p0 $0x1C01  }
0x3f: {  	[timem:s3], [sflag:s2] =	dma.local @!p0 [hbm:s0], s1  }
0x40: {  	s0 =	simm.s32 @!p0 $0x1  }
0x41: {  	_ =	swait.ge @!p0 [sflag:s0], s1  }
0x42: {  	s1 =	ssub.s32 @!p0 $0x0, s1;
	[sflag:s0] =	ssyncset.done @!p0 $0x0  }
0x43: {  	[sflag:s0] =	ssyncadd.s32 @!p0 s1  }
0x44: {  	[bflag:$0x3] =	sbarrier.arrive $0xFFFF  }
0x45: {  	_ =	shalt  }

// kernel: kernel.17.cloned.1.call-start
scs
__scs_entry_jumppad:
0x0: {  	(pc) =	sbr.rel $0x88, $3  }
0x1: {  	(tag) =	ssettag $0x0;
	lr =	simm.s32 $0x1  }
0x2: {  	[smem:$0x3F95] =	sst lr;
	_ =	strace $0xD0000000  }
0x3: {  	_ = 	snop  }
0x4: {  	_ = 	snop  }
0x5: {  	_ = 	snop  }
0x6: {  	_ = 	snop  }
0x7: {  	_ = 	snop  }
__scs_overlays_trampoline_lowered:
0x8: {  	[smem:$0x3FA4] =	sst s0  }
0x9: {  	[smem:$0x3FA5] =	sst s1  }
0xa: {  	[smem:$0x3FA6] =	sst s2  }
0xb: {  	[smem:$0x3FA7] =	sst s3  }
0xc: {  	[smem:$0x3FA8] =	sst s4  }
0xd: {  	[smem:$0x3FA9] =	sst s5  }
0xe: {  	[smem:$0x3FAA] =	sst s6  }
0xf: {  	[smem:$0x3FAB] =	sst s7  }
0x10: {  	[smem:$0x3FAC] =	sst s8  }
0x11: {  	[smem:$0x3FAD] =	sst s9;
	s0 =	simm.s32 @!p0 $0x0  }
0x12: {  	s1 =	sld [smem:$0x3F93];
	s0 =	simm.s32 @p0 $0x1  }
0x13: {  	[smem:$0x3FAE] =	sst s0;
	s0 =	simm.s32 @!p1 $0x0  }
0x14: {  	s2 =	sld [smem:$0x3F92];
	s0 =	simm.s32 @p1 $0x1  }
0x15: {  	[smem:$0x3FAF] =	sst s0;
	s0 =	simm.s32 @!p2 $0x0  }
0x16: {  	s3 =	sld [smem:$0x3FDB];
	s0 =	simm.s32 @p2 $0x1  }
0x17: {  	s4 =	simm.s32 $0x1BF5;
	[smem:$0x3FB1] =	sst s0  }
0x18: {  	s0 =	sld [smem:$0x3F94];
	_ =	swait.ge [sflag:s4], $0x0  }
0x19: {  	s7 =	sld [smem:$0x3F95]  }
0x1a: {  	s8 =	sadd.s32 $0xFFFFE003, lr  }
0x1b: {  	s9 =	sadd.s32 $0xFFFFFEF7, lr;
	s5 =	simm.s32 $0xFFFFFFFF;
	p2 =	slt.u32 s8, $0xFFFFF086  }
0x1c: {  	p1 =	slt.u32 s9, $0xF7A;
	s5 =	simm.s32 @!p2 $0x0  }
0x1d: {  	s5 =	simm.s32 @p1 $0x1;
	p0 =	seq.s32 s7, s2  }
0x1e: {  	s7 =	smul.u32 @!p0 $0xF7A, s2;
	p2 =	seq.s32 @!p0 s5, $0x0  }
0x1f: {  	s9 =	smul.u32 $0xF7A, s1;
	s8 =	simm.s32 @!p0 $0x1BF5;
	p2 =	por !p2, p0  }
0x20: {  	[sflag:s8] =	ssyncset.s32 @!p0 $0xFFFFF086;
	s6 =	sadd.s32 @!p0 s3, s7;
	s7 =	simm.s32 @!p0 $0x108  }
0x21: {  	s3 =	sadd.s32 s3, s9;
	s6 =	sadd.s32 @!p0 $0x88, s6;
	s7 =	simm.s32 @p2 $0x1082  }
0x22: {  	[simem:s7], [sflag:s8] =	dma.local @!p0 [hbm:s6], $0xF7A  }
0x23: {  	s9 =	sor.u32 $0xD0000000, s2;
	s6 =	simm.s32 $0x108;
	_ =	swait.ge @!p0 [sflag:s8], $0x0  }
0x24: {  	s3 =	sadd.s32 $0x88, s3;
	s6 =	simm.s32 @!p1 $0x1082;
	[sflag:s4] =	ssyncset.s32 $0xFFFFF086  }
0x25: {  	[simem:s6], [sflag:s4] =	dma.local [hbm:s3], $0xF7A  }
0x26: {  	[smem:$0x3F95] =	sst s1;
	(tag) =	ssettag s2;
	_ =	strace s9  }
0x27: {  	s1 =	sld [smem:$0x3FA5]  }
0x28: {  	s2 =	sld [smem:$0x3FA6]  }
0x29: {  	s4 =	sld [smem:$0x3FA8]  }
0x2a: {  	p0 =	seq.s32 s5, $0x0;
	s5 =	sld [smem:$0x3FA9]  }
0x2b: {  	s6 =	sld [smem:$0x3FAA]  }
0x2c: {  	s7 =	sld [smem:$0x3FAB]  }
0x2d: {  	s3 =	simm.s32 $0x108;
	s8 =	sld [smem:$0x3FAC]  }
0x2e: {  	s3 =	simm.s32 @!p0 $0x1082;
	s9 =	sld [smem:$0x3FAD]  }
0x2f: {  	lr =	sadd.s32 s0, s3;
	s0 =	sld [smem:$0x3FA4]  }
0x30: {  	s3 =	sld [smem:$0x3FA7]  }
0x31: {  	[smem:$0x3FB0] =	sst s10  }
0x32: {  	s10 =	sld [smem:$0x3FAE];
	_ =	sdelay $0x3  }
0x33: {  	p0 =	seq.s32 s10, $0x1;
	s10 =	sld [smem:$0x3FB0];
	_ =	sdelay $0x3  }
0x34: {  	[smem:$0x3FB0] =	sst s10  }
0x35: {  	s10 =	sld [smem:$0x3FAF];
	_ =	sdelay $0x3  }
0x36: {  	p1 =	seq.s32 s10, $0x1;
	s10 =	sld [smem:$0x3FB0];
	_ =	sdelay $0x3  }
0x37: {  	[smem:$0x3FB0] =	sst s10  }
0x38: {  	s10 =	sld [smem:$0x3FB1]  }
0x39: {  	_ = 	snop;
	(pc) =	sbr.ind lr, $3  }
0x3a: {  	_ = 	snop  }
0x3b: {  	_ = 	snop  }
0x3c: {  	p2 =	seq.s32 s10, $0x1;
	s10 =	sld [smem:$0x3FB0]  }
0x3d: {  	_ =	shalt  }
0x3e: {  	_ =	shalt  }
0x3f: {  	_ =	shalt  }
0x40: {  	_ =	shalt  }
0x41: {  	_ =	shalt  }
0x42: {  	_ =	shalt  }
0x43: {  	_ =	shalt  }
0x44: {  	_ =	shalt  }
0x45: {  	_ =	shalt  }
0x46: {  	_ =	shalt  }
0x47: {  	_ =	shalt  }
0x48: {  	_ =	shalt  }
0x49: {  	_ =	shalt  }
0x4a: {  	_ =	shalt  }
0x4b: {  	_ =	shalt  }
0x4c: {  	_ =	shalt  }
0x4d: {  	_ =	shalt  }
0x4e: {  	_ =	shalt  }
0x4f: {  	_ =	shalt  }
0x50: {  	_ =	shalt  }
0x51: {  	_ =	shalt  }
0x52: {  	_ =	shalt  }
0x53: {  	_ =	shalt  }
0x54: {  	_ =	shalt  }
0x55: {  	_ =	shalt  }
0x56: {  	_ =	shalt  }
0x57: {  	_ =	shalt  }
0x58: {  	_ =	shalt  }
0x59: {  	_ =	shalt  }
0x5a: {  	_ =	shalt  }
0x5b: {  	_ =	shalt  }
0x5c: {  	_ =	shalt  }
0x5d: {  	_ =	shalt  }
0x5e: {  	_ =	shalt  }
0x5f: {  	_ =	shalt  }
0x60: {  	_ =	shalt  }
0x61: {  	_ =	shalt  }
0x62: {  	_ =	shalt  }
0x63: {  	_ =	shalt  }
0x64: {  	_ =	shalt  }
0x65: {  	_ =	shalt  }
0x66: {  	_ =	shalt  }
0x67: {  	_ =	shalt  }
0x68: {  	_ =	shalt  }
0x69: {  	_ =	shalt  }
0x6a: {  	_ =	shalt  }
0x6b: {  	_ =	shalt  }
0x6c: {  	_ =	shalt  }
0x6d: {  	_ =	shalt  }
0x6e: {  	_ =	shalt  }
0x6f: {  	_ =	shalt  }
0x70: {  	_ =	shalt  }
0x71: {  	_ =	shalt  }
0x72: {  	_ =	shalt  }
0x73: {  	_ =	shalt  }
0x74: {  	_ =	shalt  }
0x75: {  	_ =	shalt  }
0x76: {  	_ =	shalt  }
0x77: {  	_ =	shalt  }
0x78: {  	_ =	shalt  }
0x79: {  	_ =	shalt  }
0x7a: {  	_ =	shalt  }
0x7b: {  	_ =	shalt  }
0x7c: {  	_ =	shalt  }
0x7d: {  	_ =	shalt  }
0x7e: {  	_ =	shalt  }
0x7f: {  	_ =	shalt  }
0x80: {  	_ =	shalt  }
0x81: {  	_ =	shalt  }
0x82: {  	_ =	shalt  }
0x83: {  	_ =	shalt  }
0x84: {  	_ =	shalt  }
0x85: {  	_ =	shalt  }
0x86: {  	_ =	shalt  }
0x87: {  	_ =	shalt  }
.Lfunc_end0:
.L_simem_size_0:
called_computation.1_lowered:
.L_overlay_start_0:
0x88: {  	s2 =	sld [smem:$0x3FD9]  }
0x89: {  	s3 =	sld [smem:$0x3FFE];
	_ =	sdelay $0x1  }
0x8a: {  	s1 =	srdreg.scid  }
0x8b: {  	s0 =	sand.u32 $0x1, s1  }
0x8c: {  	s17 =	sshll.u32 s0, $0xA;
	s2 =	sadd.s32 s3, s2  }
0x8d: {  	s2 =	sadd.s32 s2, s17  }
0x8e: {  	[smem:$0x3FBC] =	sst s2  }
0x8f: {  	_ = 	snop  }
0x90: {  	s2 =	sld [smem:$0x3FD0];
	(tm) =	ssettm $0x1  }
0x91: {  	s18 =	sld [smem:$0x3FFB];
	_ =	sdelay $0x3  }
0x92: {  	_ =	strace s18  }
0x93: {  	s3 =	sld [smem:$0x3FFC];
	_ =	sdelay $0x3  }
0x94: {  	_ =	strace s3  }
0x95: {  	s3 =	sld [smem:$0x3FFD];
	_ =	sdelay $0x3  }
0x96: {  	_ =	strace s3  }
0x97: {  	_ =	strace $0x8FFFFFFF  }
0x98: {  	s19 =	sld [smem:$0x3FDB];
	_ =	sdelay $0x1  }
0x99: {  	s4 =	simm.s32 $_scs_section_size  }
0x9a: {  	s5 =	simm.s32 $_size__tile_overlayer_lowered;
	s6 =	simm.s32 $_tile_overlayer_lowered  }
0x9b: {  	s22 =	simm.s32 $0x1BFF;
	s21 =	sshll.u32 s6, $0x1;
	s3 =	sadd.s32 s4, s19  }
0x9c: {  	s7 =	simm.s32 $0x0;
	s20 =	sshll.u32 s5, $0x1;
	s5 =	sadd.s32 s21, s3  }
0x9d: {  	[timem:s7], [sflag:s22] =	dma.local [hbm:s5], s20  }
0x9e: {  	_ =	swait.ge [sflag:s22], s20  }
0x9f: {  	s4 =	ssub.s32 $0x0, s20;
	[sflag:s22] =	ssyncset.done $0x0  }
0xa0: {  	[sflag:s22] =	ssyncadd.s32 s4;
	_ =	sdelay $0x1  }
0xa1: {  	s23 =	simm.s32 $0x1B8B  }
0xa2: {  	_ =	swait.ge [sflag:s23], $0x1  }
0xa3: {  	[sflag:s23] =	ssyncset.done $0x0  }
0xa4: {  	s25 =	simm.s32 $0x1B8E;
	s24 =	sld [smem:$0x3FFE];
	[sflag:s23] =	ssyncadd.s32 $0xFFFFFFFF  }
0xa5: {  	s26 =	simm.s32 $execute0_lowered;
	[smem:$0x3FD2] =	sst s25  }
0xa6: {  	s5 =	sshll.u32 s26, $0x1;
	_ =	strace $0x80000049;
	[dreg:$0x1] =	wrdreg $0xFFFFFFFF  }
0xa7: {  	s28 =	simm.s32 $_size_execute0_lowered;
	s3 =	sadd.s32 s3, s5;
	[dreg:$0x0] =	wrdreg $0x0  }
0xa8: {  	s5 =	sshll.u32 s28, $0x1;
	[dreg:$0x2] =	wrdreg s3  }
0xa9: {  	[dreg:$0x3] =	wrdreg s5  }
0xaa: {  	[dreg:$0x4] =	wrdreg $0xC0  }
0xab: {  	_ =	task [dreg:s7], $0x5FFFF  }
0xac: {  	[dreg:$0x1] =	wrdreg $0xFFFFFFFF  }
0xad: {  	[dreg:$0x0] =	wrdreg $0x60  }
0xae: {  	[dreg:$0x2] =	wrdreg s2  }
0xaf: {  	[dreg:$0x3] =	wrdreg s24  }
0xb0: {  	[dreg:$0x4] =	wrdreg $0x29000  }
0xb1: {  	[dreg:$0x5] =	wrdreg $0x9  }
0xb2: {  	_ =	task.clear_ibuf [dreg:s7], $0x6FFFF;
	_ =	strace $0x90000049  }
0xb3: {  	s29 =	simm.s32 $0x9;
	_ =	strace $0x8000004B  }
0xb4: {  	_ =	swait.ge [sflag:s29], $0x1  }
0xb5: {  	[sflag:s29] =	ssyncadd.s32 $0xFFFFFFFF  }
0xb6: {  	_ =	strace $0x9000004B  }
0xb7: {  	_ =	sfence  }
0xb8: {  	s30 =	sld [smem:$0x0];
	_ =	sdelay $0x2  }
0xb9: {  	s31 =	sshll.u32 s1, $0xD;
	s1 =	sshrl.u32 s1, $0x2  }
0xba: {  	s3 =	sand.u32 $0x4000, s31;
	s1 =	sadd.s32 s1, s30  }
0xbb: {  	s0 =	sor.u32 s3, s0;
	s1 =	sshll.u32 s1, $0x11  }
0xbc: {  	s0 =	sor.u32 s1, s0  }
0xbd: {  	s0 =	sadd.s32 $0x8F2B, s0  }
0xbe: {  	[sflag:s0] =	ssyncadd.remote.s32 $0x1  }
0xbf: {  	_ =	sfence.sel $0xFFFF  }
0xc0: {  	[dreg:$0x0] =	wrdreg $0xFFFFFFFF;
	(pc) =	sbr.abs _section_cstart, $3  }
0xc1: {  	[dreg:$0x1] =	wrdreg $0xFFFFFFFF  }
0xc2: {  	_ =	task.clear_ibuf [dreg:s7], $0x2FFFF;
	_ =	strace $0x9FFFFFFF  }
0xc3: {  	(tm) =	ssettm $0x7FFFFFFF  }
tec
execute0_lowered:
.L_overlay_start_1:
0x0: {  	(tag) =	ssettag $0x1  }
0x1: {  	s1 =	rddreg [dreg:$0x0]  }
0x2: {  	s0 =	srdreg.scid;
	s6 =	rddreg [dreg:$0x1]  }
0x3: {  	s3 =	rddreg [dreg:$0x2];
	s7 =	sand.u32 $0x1, s0  }
0x4: {  	s0 =	stileid.u32;
	s5 =	smul.u32 $0x27100, s7  }
0x5: {  	s2 =	rddreg [dreg:$0x3];
	s8 =	smul.u32 $0x2710, s0  }
0x6: {  	s4 =	simm.s32 $0x0;
	s14 =	simm.s32 $0x50;
	s9 =	smul.u32 $0x4E2, s0  }
0x7: {  	s15 =	simm.s32 $0x100;
	s16 =	simm.s32 $0x1;
	s28 =	smul.u32 $0x140000, s7  }
0x8: {  	s17 =	simm.s32 $0x0;
	[smem:$0x7FF] =	sst s4;
	s10 =	smul.u32 $0x14000, s0  }
0x9: {  	_ =	strace $0x8000004A;
	s29 =	smul.u32 $0x50000, s0;
	s7 =	ssub.s32 $0x2, s7  }
0xa: {  	s31 =	sshll.u32 s0, $0x6;
	s30 =	sshrl.u32 s7, $0x1;
	s5 =	sadd.s32 s8, s5  }
0xb: {  	s9 =	sadd.s32 s9, s6;
	s8 =	sadd.s32 s10, s28;
	s10 =	sshrl.u32 s29, $0x2  }
0xc: {  	s12 =	ssub.s32 s7, s30;
	s5 =	sshrl.u32 s5, $0x3;
	s8 =	sshrl.u32 s8, $0x3  }
0xd: {  	s13 =	sadd.s32 s10, s3;
	s9 =	sadd.s32 $0x3200, s9;
	s11 =	sadd.s32 s5, s6  }
0xe: {  	s5 =	sadd.s32 $0x8200, s6;
	s8 =	sadd.s32 s8, s6;
	s6 =	sor.u32 $0x1C02, s31  }
0xf: {  	s7 =	sadd.s32 $0xAA00, s8;
	s8 =	smax.u32 s12, $0x1;
	s10 =	sadd.s32 $0x5AA00, s11  }
0x10: {  	s11 =	sshrl.u32 s13, $0x3;
	s12 =	simm.s32 $0x2;
	s13 =	simm.s32 $0x80  }
.LBB2_1:
0x11: {  	[spmem:s11], [sflag:s6] =	dma.local [hbm:s5], $0x2800  }
0x12: {  	_ =	swait.ge [sflag:s12], $0x2800  }
0x13: {  	[sflag:s12] =	ssyncset.done $0x0  }
0x14: {  	[sflag:s12] =	ssyncadd.s32 $0xFFFFD800  }
0x15: {  	s18 =	sadd.s32 $0x0, s10;
	[bflag:$0x0] =	sbarrier.arrive $0xFFFF  }
0x16: {  	[tilespmem:s4], [sflag:$0x2] =	stream.linear.gather [hbm4b:s18+s4], $0x50, $0x38;
	[tilespmem:$0x16900] =	vst v63  }
0x17: {  	_ =	swait.ge [sflag:s12], $0x50  }
0x18: {  	[sflag:s12] =	ssyncset.done $0x0  }
0x19: {  	s31 =	sadd.s32 $0x0, s9;
	[sflag:s12] =	ssyncadd.s32 $0xFFFFFFB0  }
0x1a: {  	[tilespmem:s13], [sflag:$0x2] =	stream.linear.gather [hbm4b:s31+s4], $0x50, $0x38;
	[tilespmem:$0x16900] =	vst v63  }
0x1b: {  	_ =	swait.ge [sflag:s12], $0x50  }
0x1c: {  	[sflag:s12] =	ssyncset.done $0x0  }
0x1d: {  	[sflag:s12] =	ssyncadd.s32 $0xFFFFFFB0  }
0x1e: {  	[tilespmem:s15], [sflag:$0x1] =	stream.indirect.gather [hbm4b:s1+s14], $0x80, s4, s14, $0xb8;
	[tilespmem:$0x16900] =	vst v63  }
0x1f: {  	_ =	swait.ge [sflag:s16], $0x2800  }
0x20: {  	[sflag:s16] =	ssyncset.done $0x0  }
0x21: {  	[sflag:s16] =	ssyncadd.s32 $0xFFFFD800  }
0x22: {  	[spmem:s3] =	stream.indirect.scatter.add.f32 [tilespmem:s15], [sflag:$0x2], $0x80, s13, s14, $0xb8;
	[tilespmem:$0x16900] =	vst v63  }
0x23: {  	_ =	swait.ge [sflag:s12], $0x2800  }
0x24: {  	s19 =	simm.s32 $0x14;
	s18 =	simm.s32 $0xA;
	[sflag:s12] =	ssyncset.done $0x0  }
.LBB2_2:
0x25: {  	s20 =	sadd.s32 s18, s10  }
0x26: {  	[sflag:s12] =	ssyncadd.s32 $0xFFFFD800;
	s21 =	smov.u32 s19;
	s22 =	sadd.s32 $0xA, s19  }
0x27: {  	[tilespmem:s4], [sflag:$0x2] =	stream.linear.gather [hbm4b:s20+s4], $0x50, $0x38;
	[tilespmem:$0x16900] =	vst v63  }
0x28: {  	p0 =	sne.s32 s19, $0x4D8;
	_ =	swait.ge [sflag:s12], $0x50  }
0x29: {  	[sflag:s12] =	ssyncset.done $0x0  }
0x2a: {  	s19 =	sadd.s32 s18, s9;
	s18 =	smov.u32 s21;
	[sflag:s12] =	ssyncadd.s32 $0xFFFFFFB0  }
0x2b: {  	[tilespmem:s13], [sflag:$0x2] =	stream.linear.gather [hbm4b:s19+s4], $0x50, $0x38;
	[tilespmem:$0x16900] =	vst v63  }
0x2c: {  	_ =	swait.ge [sflag:s12], $0x50  }
0x2d: {  	[sflag:s12] =	ssyncset.done $0x0  }
0x2e: {  	[sflag:s12] =	ssyncadd.s32 $0xFFFFFFB0  }
0x2f: {  	[tilespmem:s15], [sflag:$0x1] =	stream.indirect.gather [hbm4b:s1+s14], $0x80, s4, s14, $0xb8;
	[tilespmem:$0x16900] =	vst v63  }
0x30: {  	_ =	swait.ge [sflag:s16], $0x2800  }
.Ltmp0:
0x31: {  	[sflag:s16] =	ssyncset.done $0x0;
	(pc) =	sbr.rel @p0 .LBB2_2-.Ltmp0, $4  }
0x32: {  	[sflag:s16] =	ssyncadd.s32 $0xFFFFD800  }
0x33: {  	[spmem:s3] =	stream.indirect.scatter.add.f32 [tilespmem:s15], [sflag:$0x2], $0x80, s13, s14, $0xb8;
	[tilespmem:$0x16900] =	vst v63  }
0x34: {  	_ =	swait.ge [sflag:s12], $0x2800  }
0x35: {  	s19 =	smov.u32 s22;
	[sflag:s12] =	ssyncset.done $0x0  }
0x36: {  	s19 =	sadd.s32 s18, s10;
	[sflag:s12] =	ssyncadd.s32 $0xFFFFD800  }
0x37: {  	[tilespmem:s4], [sflag:$0x2] =	stream.linear.gather [hbm4b:s19+s4], $0x50, $0x38;
	[tilespmem:$0x16900] =	vst v63  }
0x38: {  	_ =	swait.ge [sflag:s12], $0x50  }
0x39: {  	[sflag:s12] =	ssyncset.done $0x0  }
0x3a: {  	s31 =	sadd.s32 s18, s9;
	[sflag:s12] =	ssyncadd.s32 $0xFFFFFFB0  }
0x3b: {  	[tilespmem:s13], [sflag:$0x2] =	stream.linear.gather [hbm4b:s31+s4], $0x50, $0x38;
	[tilespmem:$0x16900] =	vst v63  }
0x3c: {  	_ =	swait.ge [sflag:s12], $0x50  }
0x3d: {  	[sflag:s12] =	ssyncset.done $0x0  }
0x3e: {  	[sflag:s12] =	ssyncadd.s32 $0xFFFFFFB0  }
0x3f: {  	[tilespmem:s15], [sflag:$0x1] =	stream.indirect.gather [hbm4b:s1+s14], $0x80, s4, s14, $0xb8;
	[tilespmem:$0x16900] =	vst v63  }
0x40: {  	_ =	swait.ge [sflag:s16], $0x2800  }
0x41: {  	[sflag:s16] =	ssyncset.done $0x0  }
0x42: {  	[sflag:s16] =	ssyncadd.s32 $0xFFFFD800  }
0x43: {  	[spmem:s3] =	stream.indirect.scatter.add.f32 [tilespmem:s15], [sflag:$0x2], $0x80, s13, s14, $0xb8;
	[tilespmem:$0x16900] =	vst v63  }
0x44: {  	_ =	swait.ge [sflag:s12], $0x2800  }
0x45: {  	s17 =	sadd.s32 $0x1, s17;
	[sflag:s12] =	ssyncset.done $0x0  }
0x46: {  	p0 =	sne.s32 s17, s8;
	[sflag:s12] =	ssyncadd.s32 $0xFFFFD800  }
.Ltmp1:
0x47: {  	[bflag:$0x0] =	sbarrier.arrive $0xFFFF;
	(pc) =	sbr.rel @p0 .LBB2_1-.Ltmp1, $4  }
0x48: {  	[hbm:s7], [sflag:s6] =	dma.local [spmem:s11], $0x2800  }
0x49: {  	_ =	swait.ge [sflag:s12], $0x2800  }
0x4a: {  	[sflag:s12] =	ssyncset.done $0x0  }
0x4b: {  	[sflag:s12] =	ssyncadd.s32 $0xFFFFD800  }
0x4c: {  	_ =	sfence.sel $0x180000  }
0x4d: {  	[bflag:$0x0] =	sbarrier.arrive $0xFFFF  }
0x4e: {  	p0 =	sne.s32 s0, $0x0;
	_ =	strace $0x9000004A  }
0x4f: {  	s0 =	sadd.s32 @!p0 $0x100000, s2;
	[bflag:$0x2] =	sbarrier.arrive $0xFFFF  }
0x50: {  	[sflag:s0] =	ssyncadd.tile.s32 @!p0 $0x1;
	_ =	shalt  }
.Lfunc_end2:
_tile_overlayer_lowered:
.L_overlay_start_2:
0x51: {  	(tag) =	ssettag $0x2  }
0x52: {  	s0 =	rddreg [dreg:$0x0];
	s2 =	stileid.u32  }
0x53: {  	s1 =	rddreg [dreg:$0x1];
	p0 =	sne.s32 s2, $0x0  }
0x54: {  	s3 =	rddreg [dreg:$0x2];
	[bflag:$0x3] =	sbarrier.arrive $0xFFFF;
	s2 =	simm.s32 @!p0 $0x1C02  }
0x55: {  	[timem:s3], [sflag:s2] =	dma.local @!p0 [hbm:s0], s1  }
0x56: {  	s0 =	simm.s32 @!p0 $0x2  }
0x57: {  	_ =	swait.ge @!p0 [sflag:s0], s1  }
0x58: {  	s1 =	ssub.s32 @!p0 $0x0, s1;
	[sflag:s0] =	ssyncset.done @!p0 $0x0  }
0x59: {  	[sflag:s0] =	ssyncadd.s32 @!p0 s1  }
0x5a: {  	[bflag:$0x3] =	sbarrier.arrive $0xFFFF  }
0x5b: {  	_ =	shalt  }

// kernel: kernel.20.cloned.1.call-start
scs
__scs_entry_jumppad:
0x0: {  	(pc) =	sbr.rel $0x88, $3  }
0x1: {  	(tag) =	ssettag $0x0;
	lr =	simm.s32 $0x1  }
0x2: {  	[smem:$0x3F95] =	sst lr;
	_ =	strace $0xD0000000  }
0x3: {  	_ = 	snop  }
0x4: {  	_ = 	snop  }
0x5: {  	_ = 	snop  }
0x6: {  	_ = 	snop  }
0x7: {  	_ = 	snop  }
__scs_overlays_trampoline_lowered:
0x8: {  	[smem:$0x3FA4] =	sst s0  }
0x9: {  	[smem:$0x3FA5] =	sst s1  }
0xa: {  	[smem:$0x3FA6] =	sst s2  }
0xb: {  	[smem:$0x3FA7] =	sst s3  }
0xc: {  	[smem:$0x3FA8] =	sst s4  }
0xd: {  	[smem:$0x3FA9] =	sst s5  }
0xe: {  	[smem:$0x3FAA] =	sst s6  }
0xf: {  	[smem:$0x3FAB] =	sst s7  }
0x10: {  	[smem:$0x3FAC] =	sst s8  }
0x11: {  	[smem:$0x3FAD] =	sst s9;
	s0 =	simm.s32 @!p0 $0x0  }
0x12: {  	s1 =	sld [smem:$0x3F93];
	s0 =	simm.s32 @p0 $0x1  }
0x13: {  	[smem:$0x3FAE] =	sst s0;
	s0 =	simm.s32 @!p1 $0x0  }
0x14: {  	s2 =	sld [smem:$0x3F92];
	s0 =	simm.s32 @p1 $0x1  }
0x15: {  	[smem:$0x3FAF] =	sst s0;
	s0 =	simm.s32 @!p2 $0x0  }
0x16: {  	s3 =	sld [smem:$0x3FDB];
	s0 =	simm.s32 @p2 $0x1  }
0x17: {  	s4 =	simm.s32 $0x1BF5;
	[smem:$0x3FB1] =	sst s0  }
0x18: {  	s0 =	sld [smem:$0x3F94];
	_ =	swait.ge [sflag:s4], $0x0  }
0x19: {  	s7 =	sld [smem:$0x3F95]  }
0x1a: {  	s8 =	sadd.s32 $0xFFFFE003, lr  }
0x1b: {  	s9 =	sadd.s32 $0xFFFFFEF7, lr;
	s5 =	simm.s32 $0xFFFFFFFF;
	p2 =	slt.u32 s8, $0xFFFFF086  }
0x1c: {  	p1 =	slt.u32 s9, $0xF7A;
	s5 =	simm.s32 @!p2 $0x0  }
0x1d: {  	s5 =	simm.s32 @p1 $0x1;
	p0 =	seq.s32 s7, s2  }
0x1e: {  	s7 =	smul.u32 @!p0 $0xF7A, s2;
	p2 =	seq.s32 @!p0 s5, $0x0  }
0x1f: {  	s9 =	smul.u32 $0xF7A, s1;
	s8 =	simm.s32 @!p0 $0x1BF5;
	p2 =	por !p2, p0  }
0x20: {  	[sflag:s8] =	ssyncset.s32 @!p0 $0xFFFFF086;
	s6 =	sadd.s32 @!p0 s3, s7;
	s7 =	simm.s32 @!p0 $0x108  }
0x21: {  	s3 =	sadd.s32 s3, s9;
	s6 =	sadd.s32 @!p0 $0x88, s6;
	s7 =	simm.s32 @p2 $0x1082  }
0x22: {  	[simem:s7], [sflag:s8] =	dma.local @!p0 [hbm:s6], $0xF7A  }
0x23: {  	s9 =	sor.u32 $0xD0000000, s2;
	s6 =	simm.s32 $0x108;
	_ =	swait.ge @!p0 [sflag:s8], $0x0  }
0x24: {  	s3 =	sadd.s32 $0x88, s3;
	s6 =	simm.s32 @!p1 $0x1082;
	[sflag:s4] =	ssyncset.s32 $0xFFFFF086  }
0x25: {  	[simem:s6], [sflag:s4] =	dma.local [hbm:s3], $0xF7A  }
0x26: {  	[smem:$0x3F95] =	sst s1;
	(tag) =	ssettag s2;
	_ =	strace s9  }
0x27: {  	s1 =	sld [smem:$0x3FA5]  }
0x28: {  	s2 =	sld [smem:$0x3FA6]  }
0x29: {  	s4 =	sld [smem:$0x3FA8]  }
0x2a: {  	p0 =	seq.s32 s5, $0x0;
	s5 =	sld [smem:$0x3FA9]  }
0x2b: {  	s6 =	sld [smem:$0x3FAA]  }
0x2c: {  	s7 =	sld [smem:$0x3FAB]  }
0x2d: {  	s3 =	simm.s32 $0x108;
	s8 =	sld [smem:$0x3FAC]  }
0x2e: {  	s3 =	simm.s32 @!p0 $0x1082;
	s9 =	sld [smem:$0x3FAD]  }
0x2f: {  	lr =	sadd.s32 s0, s3;
	s0 =	sld [smem:$0x3FA4]  }
0x30: {  	s3 =	sld [smem:$0x3FA7]  }
0x31: {  	[smem:$0x3FB0] =	sst s10  }
0x32: {  	s10 =	sld [smem:$0x3FAE];
	_ =	sdelay $0x3  }
0x33: {  	p0 =	seq.s32 s10, $0x1;
	s10 =	sld [smem:$0x3FB0];
	_ =	sdelay $0x3  }
0x34: {  	[smem:$0x3FB0] =	sst s10  }
0x35: {  	s10 =	sld [smem:$0x3FAF];
	_ =	sdelay $0x3  }
0x36: {  	p1 =	seq.s32 s10, $0x1;
	s10 =	sld [smem:$0x3FB0];
	_ =	sdelay $0x3  }
0x37: {  	[smem:$0x3FB0] =	sst s10  }
0x38: {  	s10 =	sld [smem:$0x3FB1]  }
0x39: {  	_ = 	snop;
	(pc) =	sbr.ind lr, $3  }
0x3a: {  	_ = 	snop  }
0x3b: {  	_ = 	snop  }
0x3c: {  	p2 =	seq.s32 s10, $0x1;
	s10 =	sld [smem:$0x3FB0]  }
0x3d: {  	_ =	shalt  }
0x3e: {  	_ =	shalt  }
0x3f: {  	_ =	shalt  }
0x40: {  	_ =	shalt  }
0x41: {  	_ =	shalt  }
0x42: {  	_ =	shalt  }
0x43: {  	_ =	shalt  }
0x44: {  	_ =	shalt  }
0x45: {  	_ =	shalt  }
0x46: {  	_ =	shalt  }
0x47: {  	_ =	shalt  }
0x48: {  	_ =	shalt  }
0x49: {  	_ =	shalt  }
0x4a: {  	_ =	shalt  }
0x4b: {  	_ =	shalt  }
0x4c: {  	_ =	shalt  }
0x4d: {  	_ =	shalt  }
0x4e: {  	_ =	shalt  }
0x4f: {  	_ =	shalt  }
0x50: {  	_ =	shalt  }
0x51: {  	_ =	shalt  }
0x52: {  	_ =	shalt  }
0x53: {  	_ =	shalt  }
0x54: {  	_ =	shalt  }
0x55: {  	_ =	shalt  }
0x56: {  	_ =	shalt  }
0x57: {  	_ =	shalt  }
0x58: {  	_ =	shalt  }
0x59: {  	_ =	shalt  }
0x5a: {  	_ =	shalt  }
0x5b: {  	_ =	shalt  }
0x5c: {  	_ =	shalt  }
0x5d: {  	_ =	shalt  }
0x5e: {  	_ =	shalt  }
0x5f: {  	_ =	shalt  }
0x60: {  	_ =	shalt  }
0x61: {  	_ =	shalt  }
0x62: {  	_ =	shalt  }
0x63: {  	_ =	shalt  }
0x64: {  	_ =	shalt  }
0x65: {  	_ =	shalt  }
0x66: {  	_ =	shalt  }
0x67: {  	_ =	shalt  }
0x68: {  	_ =	shalt  }
0x69: {  	_ =	shalt  }
0x6a: {  	_ =	shalt  }
0x6b: {  	_ =	shalt  }
0x6c: {  	_ =	shalt  }
0x6d: {  	_ =	shalt  }
0x6e: {  	_ =	shalt  }
0x6f: {  	_ =	shalt  }
0x70: {  	_ =	shalt  }
0x71: {  	_ =	shalt  }
0x72: {  	_ =	shalt  }
0x73: {  	_ =	shalt  }
0x74: {  	_ =	shalt  }
0x75: {  	_ =	shalt  }
0x76: {  	_ =	shalt  }
0x77: {  	_ =	shalt  }
0x78: {  	_ =	shalt  }
0x79: {  	_ =	shalt  }
0x7a: {  	_ =	shalt  }
0x7b: {  	_ =	shalt  }
0x7c: {  	_ =	shalt  }
0x7d: {  	_ =	shalt  }
0x7e: {  	_ =	shalt  }
0x7f: {  	_ =	shalt  }
0x80: {  	_ =	shalt  }
0x81: {  	_ =	shalt  }
0x82: {  	_ =	shalt  }
0x83: {  	_ =	shalt  }
0x84: {  	_ =	shalt  }
0x85: {  	_ =	shalt  }
0x86: {  	_ =	shalt  }
0x87: {  	_ =	shalt  }
.Lfunc_end0:
.L_simem_size_0:
called_computation.2_lowered:
.L_overlay_start_0:
0x88: {  	s2 =	sld [smem:$0x3FD9]  }
0x89: {  	s3 =	sld [smem:$0x3FFE];
	_ =	sdelay $0x1  }
0x8a: {  	s1 =	srdreg.scid  }
0x8b: {  	s0 =	sand.u32 $0x1, s1  }
0x8c: {  	s17 =	sshll.u32 s0, $0xA;
	s2 =	sadd.s32 s3, s2  }
0x8d: {  	s2 =	sadd.s32 s2, s17  }
0x8e: {  	[smem:$0x3FBC] =	sst s2  }
0x8f: {  	_ = 	snop  }
0x90: {  	s2 =	sld [smem:$0x3FD0];
	(tm) =	ssettm $0x1  }
0x91: {  	s18 =	sld [smem:$0x3FFB];
	_ =	sdelay $0x3  }
0x92: {  	_ =	strace s18  }
0x93: {  	s3 =	sld [smem:$0x3FFC];
	_ =	sdelay $0x3  }
0x94: {  	_ =	strace s3  }
0x95: {  	s3 =	sld [smem:$0x3FFD];
	_ =	sdelay $0x3  }
0x96: {  	_ =	strace s3  }
0x97: {  	_ =	strace $0x8FFFFFFF  }
0x98: {  	s19 =	sld [smem:$0x3FDB];
	_ =	sdelay $0x1  }
0x99: {  	s4 =	simm.s32 $_scs_section_size  }
0x9a: {  	s5 =	simm.s32 $_size__tile_overlayer_lowered;
	s6 =	simm.s32 $_tile_overlayer_lowered  }
0x9b: {  	s22 =	simm.s32 $0x1BFF;
	s21 =	sshll.u32 s6, $0x1;
	s3 =	sadd.s32 s4, s19  }
0x9c: {  	s7 =	simm.s32 $0x0;
	s20 =	sshll.u32 s5, $0x1;
	s5 =	sadd.s32 s21, s3  }
0x9d: {  	[timem:s7], [sflag:s22] =	dma.local [hbm:s5], s20  }
0x9e: {  	_ =	swait.ge [sflag:s22], s20  }
0x9f: {  	s4 =	ssub.s32 $0x0, s20;
	[sflag:s22] =	ssyncset.done $0x0  }
0xa0: {  	[sflag:s22] =	ssyncadd.s32 s4;
	_ =	sdelay $0x1  }
0xa1: {  	s23 =	simm.s32 $0x1B8B  }
0xa2: {  	_ =	swait.ge [sflag:s23], $0x1  }
0xa3: {  	[sflag:s23] =	ssyncset.done $0x0  }
0xa4: {  	s25 =	simm.s32 $0x1B8E;
	s24 =	sld [smem:$0x3FFE];
	[sflag:s23] =	ssyncadd.s32 $0xFFFFFFFF  }
0xa5: {  	s26 =	simm.s32 $execute0_lowered;
	[smem:$0x3FD2] =	sst s25  }
0xa6: {  	s5 =	sshll.u32 s26, $0x1;
	_ =	strace $0x8000004C;
	[dreg:$0x1] =	wrdreg $0xFFFFFFFF  }
0xa7: {  	s28 =	simm.s32 $_size_execute0_lowered;
	s3 =	sadd.s32 s3, s5;
	[dreg:$0x0] =	wrdreg $0x0  }
0xa8: {  	s5 =	sshll.u32 s28, $0x1;
	[dreg:$0x2] =	wrdreg s3  }
0xa9: {  	[dreg:$0x3] =	wrdreg s5  }
0xaa: {  	[dreg:$0x4] =	wrdreg $0xC0  }
0xab: {  	_ =	task [dreg:s7], $0x5FFFF  }
0xac: {  	[dreg:$0x1] =	wrdreg $0xFFFFFFFF  }
0xad: {  	[dreg:$0x0] =	wrdreg $0x60  }
0xae: {  	[dreg:$0x2] =	wrdreg s2  }
0xaf: {  	[dreg:$0x3] =	wrdreg s24  }
0xb0: {  	[dreg:$0x4] =	wrdreg $0x29000  }
0xb1: {  	[dreg:$0x5] =	wrdreg $0x9  }
0xb2: {  	_ =	task.clear_ibuf [dreg:s7], $0x6FFFF;
	_ =	strace $0x9000004C  }
0xb3: {  	s29 =	simm.s32 $0x9;
	_ =	strace $0x8000004E  }
0xb4: {  	_ =	swait.ge [sflag:s29], $0x1  }
0xb5: {  	[sflag:s29] =	ssyncadd.s32 $0xFFFFFFFF  }
0xb6: {  	_ =	strace $0x9000004E  }
0xb7: {  	_ =	sfence  }
0xb8: {  	s30 =	sld [smem:$0x0];
	_ =	sdelay $0x2  }
0xb9: {  	s31 =	sshll.u32 s1, $0xD;
	s1 =	sshrl.u32 s1, $0x2  }
0xba: {  	s3 =	sand.u32 $0x4000, s31;
	s1 =	sadd.s32 s1, s30  }
0xbb: {  	s0 =	sor.u32 s3, s0;
	s1 =	sshll.u32 s1, $0x11  }
0xbc: {  	s0 =	sor.u32 s1, s0  }
0xbd: {  	s0 =	sadd.s32 $0x8F2B, s0  }
0xbe: {  	[sflag:s0] =	ssyncadd.remote.s32 $0x1  }
0xbf: {  	_ =	sfence.sel $0xFFFF  }
0xc0: {  	[dreg:$0x0] =	wrdreg $0xFFFFFFFF;
	(pc) =	sbr.abs _section_cstart, $3  }
0xc1: {  	[dreg:$0x1] =	wrdreg $0xFFFFFFFF  }
0xc2: {  	_ =	task.clear_ibuf [dreg:s7], $0x2FFFF;
	_ =	strace $0x9FFFFFFF  }
0xc3: {  	(tm) =	ssettm $0x7FFFFFFF  }
tec
execute0_lowered:
.L_overlay_start_1:
0x0: {  	(tag) =	ssettag $0x1  }
0x1: {  	s1 =	rddreg [dreg:$0x0]  }
0x2: {  	s0 =	srdreg.scid;
	s6 =	rddreg [dreg:$0x1]  }
0x3: {  	s3 =	rddreg [dreg:$0x2];
	s7 =	sand.u32 $0x1, s0  }
0x4: {  	s0 =	stileid.u32;
	s5 =	smul.u32 $0x27100, s7  }
0x5: {  	s2 =	rddreg [dreg:$0x3];
	s8 =	smul.u32 $0x2710, s0  }
0x6: {  	s4 =	simm.s32 $0x0;
	s14 =	simm.s32 $0x50;
	s9 =	smul.u32 $0x4E2, s0  }
0x7: {  	s15 =	simm.s32 $0x100;
	s16 =	simm.s32 $0x1;
	s28 =	smul.u32 $0x140000, s7  }
0x8: {  	s17 =	simm.s32 $0x0;
	[smem:$0x7FF] =	sst s4;
	s10 =	smul.u32 $0x14000, s0  }
0x9: {  	_ =	strace $0x8000004D;
	s29 =	smul.u32 $0x50000, s0;
	s7 =	ssub.s32 $0x2, s7  }
0xa: {  	s31 =	sshll.u32 s0, $0x6;
	s30 =	sshrl.u32 s7, $0x1;
	s5 =	sadd.s32 s8, s5  }
0xb: {  	s9 =	sadd.s32 s9, s6;
	s8 =	sadd.s32 s10, s28;
	s10 =	sshrl.u32 s29, $0x2  }
0xc: {  	s12 =	ssub.s32 s7, s30;
	s5 =	sshrl.u32 s5, $0x3;
	s8 =	sshrl.u32 s8, $0x3  }
0xd: {  	s13 =	sadd.s32 s10, s3;
	s9 =	sadd.s32 $0x3200, s9;
	s11 =	sadd.s32 s5, s6  }
0xe: {  	s5 =	sadd.s32 $0x8200, s6;
	s8 =	sadd.s32 s8, s6;
	s6 =	sor.u32 $0x1C02, s31  }
0xf: {  	s7 =	sadd.s32 $0xAA00, s8;
	s8 =	smax.u32 s12, $0x1;
	s10 =	sadd.s32 $0x5AA00, s11  }
0x10: {  	s11 =	sshrl.u32 s13, $0x3;
	s12 =	simm.s32 $0x2;
	s13 =	simm.s32 $0x80  }
.LBB2_1:
0x11: {  	[spmem:s11], [sflag:s6] =	dma.local [hbm:s5], $0x2800  }
0x12: {  	_ =	swait.ge [sflag:s12], $0x2800  }
0x13: {  	[sflag:s12] =	ssyncset.done $0x0  }
0x14: {  	[sflag:s12] =	ssyncadd.s32 $0xFFFFD800  }
0x15: {  	s18 =	sadd.s32 $0x0, s10;
	[bflag:$0x0] =	sbarrier.arrive $0xFFFF  }
0x16: {  	[tilespmem:s4], [sflag:$0x2] =	stream.linear.gather [hbm4b:s18+s4], $0x50, $0x38;
	[tilespmem:$0x16900] =	vst v63  }
0x17: {  	_ =	swait.ge [sflag:s12], $0x50  }
0x18: {  	[sflag:s12] =	ssyncset.done $0x0  }
0x19: {  	s31 =	sadd.s32 $0x0, s9;
	[sflag:s12] =	ssyncadd.s32 $0xFFFFFFB0  }
0x1a: {  	[tilespmem:s13], [sflag:$0x2] =	stream.linear.gather [hbm4b:s31+s4], $0x50, $0x38;
	[tilespmem:$0x16900] =	vst v63  }
0x1b: {  	_ =	swait.ge [sflag:s12], $0x50  }
0x1c: {  	[sflag:s12] =	ssyncset.done $0x0  }
0x1d: {  	[sflag:s12] =	ssyncadd.s32 $0xFFFFFFB0  }
0x1e: {  	[tilespmem:s15], [sflag:$0x1] =	stream.indirect.gather [hbm4b:s1+s14], $0x80, s4, s14, $0xb8;
	[tilespmem:$0x16900] =	vst v63  }
0x1f: {  	_ =	swait.ge [sflag:s16], $0x2800  }
0x20: {  	[sflag:s16] =	ssyncset.done $0x0  }
0x21: {  	[sflag:s16] =	ssyncadd.s32 $0xFFFFD800  }
0x22: {  	[spmem:s3] =	stream.indirect.scatter.add.f32 [tilespmem:s15], [sflag:$0x2], $0x80, s13, s14, $0xb8;
	[tilespmem:$0x16900] =	vst v63  }
0x23: {  	_ =	swait.ge [sflag:s12], $0x2800  }
0x24: {  	s19 =	simm.s32 $0x14;
	s18 =	simm.s32 $0xA;
	[sflag:s12] =	ssyncset.done $0x0  }
.LBB2_2:
0x25: {  	s20 =	sadd.s32 s18, s10  }
0x26: {  	[sflag:s12] =	ssyncadd.s32 $0xFFFFD800;
	s21 =	smov.u32 s19;
	s22 =	sadd.s32 $0xA, s19  }
0x27: {  	[tilespmem:s4], [sflag:$0x2] =	stream.linear.gather [hbm4b:s20+s4], $0x50, $0x38;
	[tilespmem:$0x16900] =	vst v63  }
0x28: {  	p0 =	sne.s32 s19, $0x4D8;
	_ =	swait.ge [sflag:s12], $0x50  }
0x29: {  	[sflag:s12] =	ssyncset.done $0x0  }
0x2a: {  	s19 =	sadd.s32 s18, s9;
	s18 =	smov.u32 s21;
	[sflag:s12] =	ssyncadd.s32 $0xFFFFFFB0  }
0x2b: {  	[tilespmem:s13], [sflag:$0x2] =	stream.linear.gather [hbm4b:s19+s4], $0x50, $0x38;
	[tilespmem:$0x16900] =	vst v63  }
0x2c: {  	_ =	swait.ge [sflag:s12], $0x50  }
0x2d: {  	[sflag:s12] =	ssyncset.done $0x0  }
0x2e: {  	[sflag:s12] =	ssyncadd.s32 $0xFFFFFFB0  }
0x2f: {  	[tilespmem:s15], [sflag:$0x1] =	stream.indirect.gather [hbm4b:s1+s14], $0x80, s4, s14, $0xb8;
	[tilespmem:$0x16900] =	vst v63  }
0x30: {  	_ =	swait.ge [sflag:s16], $0x2800  }
.Ltmp0:
0x31: {  	[sflag:s16] =	ssyncset.done $0x0;
	(pc) =	sbr.rel @p0 .LBB2_2-.Ltmp0, $4  }
0x32: {  	[sflag:s16] =	ssyncadd.s32 $0xFFFFD800  }
0x33: {  	[spmem:s3] =	stream.indirect.scatter.add.f32 [tilespmem:s15], [sflag:$0x2], $0x80, s13, s14, $0xb8;
	[tilespmem:$0x16900] =	vst v63  }
0x34: {  	_ =	swait.ge [sflag:s12], $0x2800  }
0x35: {  	s19 =	smov.u32 s22;
	[sflag:s12] =	ssyncset.done $0x0  }
0x36: {  	s19 =	sadd.s32 s18, s10;
	[sflag:s12] =	ssyncadd.s32 $0xFFFFD800  }
0x37: {  	[tilespmem:s4], [sflag:$0x2] =	stream.linear.gather [hbm4b:s19+s4], $0x50, $0x38;
	[tilespmem:$0x16900] =	vst v63  }
0x38: {  	_ =	swait.ge [sflag:s12], $0x50  }
0x39: {  	[sflag:s12] =	ssyncset.done $0x0  }
0x3a: {  	s31 =	sadd.s32 s18, s9;
	[sflag:s12] =	ssyncadd.s32 $0xFFFFFFB0  }
0x3b: {  	[tilespmem:s13], [sflag:$0x2] =	stream.linear.gather [hbm4b:s31+s4], $0x50, $0x38;
	[tilespmem:$0x16900] =	vst v63  }
0x3c: {  	_ =	swait.ge [sflag:s12], $0x50  }
0x3d: {  	[sflag:s12] =	ssyncset.done $0x0  }
0x3e: {  	[sflag:s12] =	ssyncadd.s32 $0xFFFFFFB0  }
0x3f: {  	[tilespmem:s15], [sflag:$0x1] =	stream.indirect.gather [hbm4b:s1+s14], $0x80, s4, s14, $0xb8;
	[tilespmem:$0x16900] =	vst v63  }
0x40: {  	_ =	swait.ge [sflag:s16], $0x2800  }
0x41: {  	[sflag:s16] =	ssyncset.done $0x0  }
0x42: {  	[sflag:s16] =	ssyncadd.s32 $0xFFFFD800  }
0x43: {  	[spmem:s3] =	stream.indirect.scatter.add.f32 [tilespmem:s15], [sflag:$0x2], $0x80, s13, s14, $0xb8;
	[tilespmem:$0x16900] =	vst v63  }
0x44: {  	_ =	swait.ge [sflag:s12], $0x2800  }
0x45: {  	s17 =	sadd.s32 $0x1, s17;
	[sflag:s12] =	ssyncset.done $0x0  }
0x46: {  	p0 =	sne.s32 s17, s8;
	[sflag:s12] =	ssyncadd.s32 $0xFFFFD800  }
.Ltmp1:
0x47: {  	[bflag:$0x0] =	sbarrier.arrive $0xFFFF;
	(pc) =	sbr.rel @p0 .LBB2_1-.Ltmp1, $4  }
0x48: {  	[hbm:s7], [sflag:s6] =	dma.local [spmem:s11], $0x2800  }
0x49: {  	_ =	swait.ge [sflag:s12], $0x2800  }
0x4a: {  	[sflag:s12] =	ssyncset.done $0x0  }
0x4b: {  	[sflag:s12] =	ssyncadd.s32 $0xFFFFD800  }
0x4c: {  	_ =	sfence.sel $0x180000  }
0x4d: {  	[bflag:$0x0] =	sbarrier.arrive $0xFFFF  }
0x4e: {  	p0 =	sne.s32 s0, $0x0;
	_ =	strace $0x9000004D  }
0x4f: {  	s0 =	sadd.s32 @!p0 $0x100000, s2;
	[bflag:$0x2] =	sbarrier.arrive $0xFFFF  }
0x50: {  	[sflag:s0] =	ssyncadd.tile.s32 @!p0 $0x1;
	_ =	shalt  }
.Lfunc_end2:
_tile_overlayer_lowered:
.L_overlay_start_2:
0x51: {  	(tag) =	ssettag $0x2  }
0x52: {  	s0 =	rddreg [dreg:$0x0];
	s2 =	stileid.u32  }
0x53: {  	s1 =	rddreg [dreg:$0x1];
	p0 =	sne.s32 s2, $0x0  }
0x54: {  	s3 =	rddreg [dreg:$0x2];
	[bflag:$0x3] =	sbarrier.arrive $0xFFFF;
	s2 =	simm.s32 @!p0 $0x1C02  }
0x55: {  	[timem:s3], [sflag:s2] =	dma.local @!p0 [hbm:s0], s1  }
0x56: {  	s0 =	simm.s32 @!p0 $0x2  }
0x57: {  	_ =	swait.ge @!p0 [sflag:s0], s1  }
0x58: {  	s1 =	ssub.s32 @!p0 $0x0, s1;
	[sflag:s0] =	ssyncset.done @!p0 $0x0  }
0x59: {  	[sflag:s0] =	ssyncadd.s32 @!p0 s1  }
0x5a: {  	[bflag:$0x3] =	sbarrier.arrive $0xFFFF  }
0x5b: {  	_ =	shalt  }

// kernel: kernel.23.cloned.1.call-start
scs
__scs_entry_jumppad:
0x0: {  	(pc) =	sbr.rel $0x88, $3  }
0x1: {  	(tag) =	ssettag $0x0;
	lr =	simm.s32 $0x1  }
0x2: {  	[smem:$0x3F95] =	sst lr;
	_ =	strace $0xD0000000  }
0x3: {  	_ = 	snop  }
0x4: {  	_ = 	snop  }
0x5: {  	_ = 	snop  }
0x6: {  	_ = 	snop  }
0x7: {  	_ = 	snop  }
__scs_overlays_trampoline_lowered:
0x8: {  	[smem:$0x3FA4] =	sst s0  }
0x9: {  	[smem:$0x3FA5] =	sst s1  }
0xa: {  	[smem:$0x3FA6] =	sst s2  }
0xb: {  	[smem:$0x3FA7] =	sst s3  }
0xc: {  	[smem:$0x3FA8] =	sst s4  }
0xd: {  	[smem:$0x3FA9] =	sst s5  }
0xe: {  	[smem:$0x3FAA] =	sst s6  }
0xf: {  	[smem:$0x3FAB] =	sst s7  }
0x10: {  	[smem:$0x3FAC] =	sst s8  }
0x11: {  	[smem:$0x3FAD] =	sst s9;
	s0 =	simm.s32 @!p0 $0x0  }
0x12: {  	s1 =	sld [smem:$0x3F93];
	s0 =	simm.s32 @p0 $0x1  }
0x13: {  	[smem:$0x3FAE] =	sst s0;
	s0 =	simm.s32 @!p1 $0x0  }
0x14: {  	s2 =	sld [smem:$0x3F92];
	s0 =	simm.s32 @p1 $0x1  }
0x15: {  	[smem:$0x3FAF] =	sst s0;
	s0 =	simm.s32 @!p2 $0x0  }
0x16: {  	s3 =	sld [smem:$0x3FDB];
	s0 =	simm.s32 @p2 $0x1  }
0x17: {  	s4 =	simm.s32 $0x1BF5;
	[smem:$0x3FB1] =	sst s0  }
0x18: {  	s0 =	sld [smem:$0x3F94];
	_ =	swait.ge [sflag:s4], $0x0  }
0x19: {  	s7 =	sld [smem:$0x3F95]  }
0x1a: {  	s8 =	sadd.s32 $0xFFFFE003, lr  }
0x1b: {  	s9 =	sadd.s32 $0xFFFFFEF7, lr;
	s5 =	simm.s32 $0xFFFFFFFF;
	p2 =	slt.u32 s8, $0xFFFFF086  }
0x1c: {  	p1 =	slt.u32 s9, $0xF7A;
	s5 =	simm.s32 @!p2 $0x0  }
0x1d: {  	s5 =	simm.s32 @p1 $0x1;
	p0 =	seq.s32 s7, s2  }
0x1e: {  	s7 =	smul.u32 @!p0 $0xF7A, s2;
	p2 =	seq.s32 @!p0 s5, $0x0  }
0x1f: {  	s9 =	smul.u32 $0xF7A, s1;
	s8 =	simm.s32 @!p0 $0x1BF5;
	p2 =	por !p2, p0  }
0x20: {  	[sflag:s8] =	ssyncset.s32 @!p0 $0xFFFFF086;
	s6 =	sadd.s32 @!p0 s3, s7;
	s7 =	simm.s32 @!p0 $0x108  }
0x21: {  	s3 =	sadd.s32 s3, s9;
	s6 =	sadd.s32 @!p0 $0x88, s6;
	s7 =	simm.s32 @p2 $0x1082  }
0x22: {  	[simem:s7], [sflag:s8] =	dma.local @!p0 [hbm:s6], $0xF7A  }
0x23: {  	s9 =	sor.u32 $0xD0000000, s2;
	s6 =	simm.s32 $0x108;
	_ =	swait.ge @!p0 [sflag:s8], $0x0  }
0x24: {  	s3 =	sadd.s32 $0x88, s3;
	s6 =	simm.s32 @!p1 $0x1082;
	[sflag:s4] =	ssyncset.s32 $0xFFFFF086  }
0x25: {  	[simem:s6], [sflag:s4] =	dma.local [hbm:s3], $0xF7A  }
0x26: {  	[smem:$0x3F95] =	sst s1;
	(tag) =	ssettag s2;
	_ =	strace s9  }
0x27: {  	s1 =	sld [smem:$0x3FA5]  }
0x28: {  	s2 =	sld [smem:$0x3FA6]  }
0x29: {  	s4 =	sld [smem:$0x3FA8]  }
0x2a: {  	p0 =	seq.s32 s5, $0x0;
	s5 =	sld [smem:$0x3FA9]  }
0x2b: {  	s6 =	sld [smem:$0x3FAA]  }
0x2c: {  	s7 =	sld [smem:$0x3FAB]  }
0x2d: {  	s3 =	simm.s32 $0x108;
	s8 =	sld [smem:$0x3FAC]  }
0x2e: {  	s3 =	simm.s32 @!p0 $0x1082;
	s9 =	sld [smem:$0x3FAD]  }
0x2f: {  	lr =	sadd.s32 s0, s3;
	s0 =	sld [smem:$0x3FA4]  }
0x30: {  	s3 =	sld [smem:$0x3FA7]  }
0x31: {  	[smem:$0x3FB0] =	sst s10  }
0x32: {  	s10 =	sld [smem:$0x3FAE];
	_ =	sdelay $0x3  }
0x33: {  	p0 =	seq.s32 s10, $0x1;
	s10 =	sld [smem:$0x3FB0];
	_ =	sdelay $0x3  }
0x34: {  	[smem:$0x3FB0] =	sst s10  }
0x35: {  	s10 =	sld [smem:$0x3FAF];
	_ =	sdelay $0x3  }
0x36: {  	p1 =	seq.s32 s10, $0x1;
	s10 =	sld [smem:$0x3FB0];
	_ =	sdelay $0x3  }
0x37: {  	[smem:$0x3FB0] =	sst s10  }
0x38: {  	s10 =	sld [smem:$0x3FB1]  }
0x39: {  	_ = 	snop;
	(pc) =	sbr.ind lr, $3  }
0x3a: {  	_ = 	snop  }
0x3b: {  	_ = 	snop  }
0x3c: {  	p2 =	seq.s32 s10, $0x1;
	s10 =	sld [smem:$0x3FB0]  }
0x3d: {  	_ =	shalt  }
0x3e: {  	_ =	shalt  }
0x3f: {  	_ =	shalt  }
0x40: {  	_ =	shalt  }
0x41: {  	_ =	shalt  }
0x42: {  	_ =	shalt  }
0x43: {  	_ =	shalt  }
0x44: {  	_ =	shalt  }
0x45: {  	_ =	shalt  }
0x46: {  	_ =	shalt  }
0x47: {  	_ =	shalt  }
0x48: {  	_ =	shalt  }
0x49: {  	_ =	shalt  }
0x4a: {  	_ =	shalt  }
0x4b: {  	_ =	shalt  }
0x4c: {  	_ =	shalt  }
0x4d: {  	_ =	shalt  }
0x4e: {  	_ =	shalt  }
0x4f: {  	_ =	shalt  }
0x50: {  	_ =	shalt  }
0x51: {  	_ =	shalt  }
0x52: {  	_ =	shalt  }
0x53: {  	_ =	shalt  }
0x54: {  	_ =	shalt  }
0x55: {  	_ =	shalt  }
0x56: {  	_ =	shalt  }
0x57: {  	_ =	shalt  }
0x58: {  	_ =	shalt  }
0x59: {  	_ =	shalt  }
0x5a: {  	_ =	shalt  }
0x5b: {  	_ =	shalt  }
0x5c: {  	_ =	shalt  }
0x5d: {  	_ =	shalt  }
0x5e: {  	_ =	shalt  }
0x5f: {  	_ =	shalt  }
0x60: {  	_ =	shalt  }
0x61: {  	_ =	shalt  }
0x62: {  	_ =	shalt  }
0x63: {  	_ =	shalt  }
0x64: {  	_ =	shalt  }
0x65: {  	_ =	shalt  }
0x66: {  	_ =	shalt  }
0x67: {  	_ =	shalt  }
0x68: {  	_ =	shalt  }
0x69: {  	_ =	shalt  }
0x6a: {  	_ =	shalt  }
0x6b: {  	_ =	shalt  }
0x6c: {  	_ =	shalt  }
0x6d: {  	_ =	shalt  }
0x6e: {  	_ =	shalt  }
0x6f: {  	_ =	shalt  }
0x70: {  	_ =	shalt  }
0x71: {  	_ =	shalt  }
0x72: {  	_ =	shalt  }
0x73: {  	_ =	shalt  }
0x74: {  	_ =	shalt  }
0x75: {  	_ =	shalt  }
0x76: {  	_ =	shalt  }
0x77: {  	_ =	shalt  }
0x78: {  	_ =	shalt  }
0x79: {  	_ =	shalt  }
0x7a: {  	_ =	shalt  }
0x7b: {  	_ =	shalt  }
0x7c: {  	_ =	shalt  }
0x7d: {  	_ =	shalt  }
0x7e: {  	_ =	shalt  }
0x7f: {  	_ =	shalt  }
0x80: {  	_ =	shalt  }
0x81: {  	_ =	shalt  }
0x82: {  	_ =	shalt  }
0x83: {  	_ =	shalt  }
0x84: {  	_ =	shalt  }
0x85: {  	_ =	shalt  }
0x86: {  	_ =	shalt  }
0x87: {  	_ =	shalt  }
.Lfunc_end0:
.L_simem_size_0:
called_computation.3_lowered:
.L_overlay_start_0:
0x88: {  	s2 =	sld [smem:$0x3FD9]  }
0x89: {  	s3 =	sld [smem:$0x3FFE];
	_ =	sdelay $0x1  }
0x8a: {  	s1 =	srdreg.scid  }
0x8b: {  	s0 =	sand.u32 $0x1, s1  }
0x8c: {  	s17 =	sshll.u32 s0, $0xA;
	s2 =	sadd.s32 s3, s2  }
0x8d: {  	s2 =	sadd.s32 s2, s17  }
0x8e: {  	[smem:$0x3FBC] =	sst s2  }
0x8f: {  	_ = 	snop  }
0x90: {  	s2 =	sld [smem:$0x3FD0];
	(tm) =	ssettm $0x1  }
0x91: {  	s18 =	sld [smem:$0x3FFB];
	_ =	sdelay $0x3  }
0x92: {  	_ =	strace s18  }
0x93: {  	s3 =	sld [smem:$0x3FFC];
	_ =	sdelay $0x3  }
0x94: {  	_ =	strace s3  }
0x95: {  	s3 =	sld [smem:$0x3FFD];
	_ =	sdelay $0x3  }
0x96: {  	_ =	strace s3  }
0x97: {  	_ =	strace $0x8FFFFFFF  }
0x98: {  	s19 =	sld [smem:$0x3FDB];
	_ =	sdelay $0x1  }
0x99: {  	s4 =	simm.s32 $_scs_section_size  }
0x9a: {  	s5 =	simm.s32 $_size__tile_overlayer_lowered;
	s6 =	simm.s32 $_tile_overlayer_lowered  }
0x9b: {  	s22 =	simm.s32 $0x1BFF;
	s21 =	sshll.u32 s6, $0x1;
	s3 =	sadd.s32 s4, s19  }
0x9c: {  	s7 =	simm.s32 $0x0;
	s20 =	sshll.u32 s5, $0x1;
	s5 =	sadd.s32 s21, s3  }
0x9d: {  	[timem:s7], [sflag:s22] =	dma.local [hbm:s5], s20  }
0x9e: {  	_ =	swait.ge [sflag:s22], s20  }
0x9f: {  	s4 =	ssub.s32 $0x0, s20;
	[sflag:s22] =	ssyncset.done $0x0  }
0xa0: {  	[sflag:s22] =	ssyncadd.s32 s4;
	_ =	sdelay $0x1  }
0xa1: {  	s23 =	simm.s32 $0x1B8B  }
0xa2: {  	_ =	swait.ge [sflag:s23], $0x1  }
0xa3: {  	[sflag:s23] =	ssyncset.done $0x0  }
0xa4: {  	s25 =	simm.s32 $0x1B8E;
	s24 =	sld [smem:$0x3FFE];
	[sflag:s23] =	ssyncadd.s32 $0xFFFFFFFF  }
0xa5: {  	s26 =	simm.s32 $execute0_lowered;
	[smem:$0x3FD2] =	sst s25  }
0xa6: {  	s5 =	sshll.u32 s26, $0x1;
	_ =	strace $0x8000004F;
	[dreg:$0x1] =	wrdreg $0xFFFFFFFF  }
0xa7: {  	s28 =	simm.s32 $_size_execute0_lowered;
	s3 =	sadd.s32 s3, s5;
	[dreg:$0x0] =	wrdreg $0x0  }
0xa8: {  	s5 =	sshll.u32 s28, $0x1;
	[dreg:$0x2] =	wrdreg s3  }
0xa9: {  	[dreg:$0x3] =	wrdreg s5  }
0xaa: {  	[dreg:$0x4] =	wrdreg $0xC0  }
0xab: {  	_ =	task [dreg:s7], $0x5FFFF  }
0xac: {  	[dreg:$0x1] =	wrdreg $0xFFFFFFFF  }
0xad: {  	[dreg:$0x0] =	wrdreg $0x60  }
0xae: {  	[dreg:$0x2] =	wrdreg s2  }
0xaf: {  	[dreg:$0x3] =	wrdreg s24  }
0xb0: {  	[dreg:$0x4] =	wrdreg $0x29000  }
0xb1: {  	[dreg:$0x5] =	wrdreg $0x9  }
0xb2: {  	_ =	task.clear_ibuf [dreg:s7], $0x6FFFF;
	_ =	strace $0x9000004F  }
0xb3: {  	s29 =	simm.s32 $0x9;
	_ =	strace $0x80000051  }
0xb4: {  	_ =	swait.ge [sflag:s29], $0x1  }
0xb5: {  	[sflag:s29] =	ssyncadd.s32 $0xFFFFFFFF  }
0xb6: {  	_ =	strace $0x90000051  }
0xb7: {  	_ =	sfence  }
0xb8: {  	s30 =	sld [smem:$0x0];
	_ =	sdelay $0x2  }
0xb9: {  	s31 =	sshll.u32 s1, $0xD;
	s1 =	sshrl.u32 s1, $0x2  }
0xba: {  	s3 =	sand.u32 $0x4000, s31;
	s1 =	sadd.s32 s1, s30  }
0xbb: {  	s0 =	sor.u32 s3, s0;
	s1 =	sshll.u32 s1, $0x11  }
0xbc: {  	s0 =	sor.u32 s1, s0  }
0xbd: {  	s0 =	sadd.s32 $0x8F2B, s0  }
0xbe: {  	[sflag:s0] =	ssyncadd.remote.s32 $0x1  }
0xbf: {  	_ =	sfence.sel $0xFFFF  }
0xc0: {  	[dreg:$0x0] =	wrdreg $0xFFFFFFFF;
	(pc) =	sbr.abs _section_cstart, $3  }
0xc1: {  	[dreg:$0x1] =	wrdreg $0xFFFFFFFF  }
0xc2: {  	_ =	task.clear_ibuf [dreg:s7], $0x2FFFF;
	_ =	strace $0x9FFFFFFF  }
0xc3: {  	(tm) =	ssettm $0x7FFFFFFF  }
tec
execute0_lowered:
.L_overlay_start_1:
0x0: {  	(tag) =	ssettag $0x1  }
0x1: {  	s1 =	rddreg [dreg:$0x0]  }
0x2: {  	s0 =	srdreg.scid;
	s6 =	rddreg [dreg:$0x1]  }
0x3: {  	s3 =	rddreg [dreg:$0x2];
	s7 =	sand.u32 $0x1, s0  }
0x4: {  	s0 =	stileid.u32;
	s5 =	smul.u32 $0x27100, s7  }
0x5: {  	s2 =	rddreg [dreg:$0x3];
	s8 =	smul.u32 $0x2710, s0  }
0x6: {  	s4 =	simm.s32 $0x0;
	s14 =	simm.s32 $0x50;
	s9 =	smul.u32 $0x4E2, s0  }
0x7: {  	s15 =	simm.s32 $0x100;
	s16 =	simm.s32 $0x1;
	s28 =	smul.u32 $0x140000, s7  }
0x8: {  	s17 =	simm.s32 $0x0;
	[smem:$0x7FF] =	sst s4;
	s10 =	smul.u32 $0x14000, s0  }
0x9: {  	_ =	strace $0x80000050;
	s29 =	smul.u32 $0x50000, s0;
	s7 =	ssub.s32 $0x2, s7  }
0xa: {  	s31 =	sshll.u32 s0, $0x6;
	s30 =	sshrl.u32 s7, $0x1;
	s5 =	sadd.s32 s8, s5  }
0xb: {  	s9 =	sadd.s32 s9, s6;
	s8 =	sadd.s32 s10, s28;
	s10 =	sshrl.u32 s29, $0x2  }
0xc: {  	s12 =	ssub.s32 s7, s30;
	s5 =	sshrl.u32 s5, $0x3;
	s8 =	sshrl.u32 s8, $0x3  }
0xd: {  	s13 =	sadd.s32 s10, s3;
	s9 =	sadd.s32 $0x3200, s9;
	s11 =	sadd.s32 s5, s6  }
0xe: {  	s5 =	sadd.s32 $0x8200, s6;
	s8 =	sadd.s32 s8, s6;
	s6 =	sor.u32 $0x1C02, s31  }
0xf: {  	s7 =	sadd.s32 $0xAA00, s8;
	s8 =	smax.u32 s12, $0x1;
	s10 =	sadd.s32 $0x5AA00, s11  }
0x10: {  	s11 =	sshrl.u32 s13, $0x3;
	s12 =	simm.s32 $0x2;
	s13 =	simm.s32 $0x80  }
.LBB2_1:
0x11: {  	[spmem:s11], [sflag:s6] =	dma.local [hbm:s5], $0x2800  }
0x12: {  	_ =	swait.ge [sflag:s12], $0x2800  }
0x13: {  	[sflag:s12] =	ssyncset.done $0x0  }
0x14: {  	[sflag:s12] =	ssyncadd.s32 $0xFFFFD800  }
0x15: {  	s18 =	sadd.s32 $0x0, s10;
	[bflag:$0x0] =	sbarrier.arrive $0xFFFF  }
0x16: {  	[tilespmem:s4], [sflag:$0x2] =	stream.linear.gather [hbm4b:s18+s4], $0x50, $0x38;
	[tilespmem:$0x16900] =	vst v63  }
0x17: {  	_ =	swait.ge [sflag:s12], $0x50  }
0x18: {  	[sflag:s12] =	ssyncset.done $0x0  }
0x19: {  	s31 =	sadd.s32 $0x0, s9;
	[sflag:s12] =	ssyncadd.s32 $0xFFFFFFB0  }
0x1a: {  	[tilespmem:s13], [sflag:$0x2] =	stream.linear.gather [hbm4b:s31+s4], $0x50, $0x38;
	[tilespmem:$0x16900] =	vst v63  }
0x1b: {  	_ =	swait.ge [sflag:s12], $0x50  }
0x1c: {  	[sflag:s12] =	ssyncset.done $0x0  }
0x1d: {  	[sflag:s12] =	ssyncadd.s32 $0xFFFFFFB0  }
0x1e: {  	[tilespmem:s15], [sflag:$0x1] =	stream.indirect.gather [hbm4b:s1+s14], $0x80, s4, s14, $0xb8;
	[tilespmem:$0x16900] =	vst v63  }
0x1f: {  	_ =	swait.ge [sflag:s16], $0x2800  }
0x20: {  	[sflag:s16] =	ssyncset.done $0x0  }
0x21: {  	[sflag:s16] =	ssyncadd.s32 $0xFFFFD800  }
0x22: {  	[spmem:s3] =	stream.indirect.scatter.add.f32 [tilespmem:s15], [sflag:$0x2], $0x80, s13, s14, $0xb8;
	[tilespmem:$0x16900] =	vst v63  }
0x23: {  	_ =	swait.ge [sflag:s12], $0x2800  }
0x24: {  	s19 =	simm.s32 $0x14;
	s18 =	simm.s32 $0xA;
	[sflag:s12] =	ssyncset.done $0x0  }
.LBB2_2:
0x25: {  	s20 =	sadd.s32 s18, s10  }
0x26: {  	[sflag:s12] =	ssyncadd.s32 $0xFFFFD800;
	s21 =	smov.u32 s19;
	s22 =	sadd.s32 $0xA, s19  }
0x27: {  	[tilespmem:s4], [sflag:$0x2] =	stream.linear.gather [hbm4b:s20+s4], $0x50, $0x38;
	[tilespmem:$0x16900] =	vst v63  }
0x28: {  	p0 =	sne.s32 s19, $0x4D8;
	_ =	swait.ge [sflag:s12], $0x50  }
0x29: {  	[sflag:s12] =	ssyncset.done $0x0  }
0x2a: {  	s19 =	sadd.s32 s18, s9;
	s18 =	smov.u32 s21;
	[sflag:s12] =	ssyncadd.s32 $0xFFFFFFB0  }
0x2b: {  	[tilespmem:s13], [sflag:$0x2] =	stream.linear.gather [hbm4b:s19+s4], $0x50, $0x38;
	[tilespmem:$0x16900] =	vst v63  }
0x2c: {  	_ =	swait.ge [sflag:s12], $0x50  }
0x2d: {  	[sflag:s12] =	ssyncset.done $0x0  }
0x2e: {  	[sflag:s12] =	ssyncadd.s32 $0xFFFFFFB0  }
0x2f: {  	[tilespmem:s15], [sflag:$0x1] =	stream.indirect.gather [hbm4b:s1+s14], $0x80, s4, s14, $0xb8;
	[tilespmem:$0x16900] =	vst v63  }
0x30: {  	_ =	swait.ge [sflag:s16], $0x2800  }
.Ltmp0:
0x31: {  	[sflag:s16] =	ssyncset.done $0x0;
	(pc) =	sbr.rel @p0 .LBB2_2-.Ltmp0, $4  }
0x32: {  	[sflag:s16] =	ssyncadd.s32 $0xFFFFD800  }
0x33: {  	[spmem:s3] =	stream.indirect.scatter.add.f32 [tilespmem:s15], [sflag:$0x2], $0x80, s13, s14, $0xb8;
	[tilespmem:$0x16900] =	vst v63  }
0x34: {  	_ =	swait.ge [sflag:s12], $0x2800  }
0x35: {  	s19 =	smov.u32 s22;
	[sflag:s12] =	ssyncset.done $0x0  }
0x36: {  	s19 =	sadd.s32 s18, s10;
	[sflag:s12] =	ssyncadd.s32 $0xFFFFD800  }
0x37: {  	[tilespmem:s4], [sflag:$0x2] =	stream.linear.gather [hbm4b:s19+s4], $0x50, $0x38;
	[tilespmem:$0x16900] =	vst v63  }
0x38: {  	_ =	swait.ge [sflag:s12], $0x50  }
0x39: {  	[sflag:s12] =	ssyncset.done $0x0  }
0x3a: {  	s31 =	sadd.s32 s18, s9;
	[sflag:s12] =	ssyncadd.s32 $0xFFFFFFB0  }
0x3b: {  	[tilespmem:s13], [sflag:$0x2] =	stream.linear.gather [hbm4b:s31+s4], $0x50, $0x38;
	[tilespmem:$0x16900] =	vst v63  }
0x3c: {  	_ =	swait.ge [sflag:s12], $0x50  }
0x3d: {  	[sflag:s12] =	ssyncset.done $0x0  }
0x3e: {  	[sflag:s12] =	ssyncadd.s32 $0xFFFFFFB0  }
0x3f: {  	[tilespmem:s15], [sflag:$0x1] =	stream.indirect.gather [hbm4b:s1+s14], $0x80, s4, s14, $0xb8;
	[tilespmem:$0x16900] =	vst v63  }
0x40: {  	_ =	swait.ge [sflag:s16], $0x2800  }
0x41: {  	[sflag:s16] =	ssyncset.done $0x0  }
0x42: {  	[sflag:s16] =	ssyncadd.s32 $0xFFFFD800  }
0x43: {  	[spmem:s3] =	stream.indirect.scatter.add.f32 [tilespmem:s15], [sflag:$0x2], $0x80, s13, s14, $0xb8;
	[tilespmem:$0x16900] =	vst v63  }
0x44: {  	_ =	swait.ge [sflag:s12], $0x2800  }
0x45: {  	s17 =	sadd.s32 $0x1, s17;
	[sflag:s12] =	ssyncset.done $0x0  }
0x46: {  	p0 =	sne.s32 s17, s8;
	[sflag:s12] =	ssyncadd.s32 $0xFFFFD800  }
.Ltmp1:
0x47: {  	[bflag:$0x0] =	sbarrier.arrive $0xFFFF;
	(pc) =	sbr.rel @p0 .LBB2_1-.Ltmp1, $4  }
0x48: {  	[hbm:s7], [sflag:s6] =	dma.local [spmem:s11], $0x2800  }
0x49: {  	_ =	swait.ge [sflag:s12], $0x2800  }
0x4a: {  	[sflag:s12] =	ssyncset.done $0x0  }
0x4b: {  	[sflag:s12] =	ssyncadd.s32 $0xFFFFD800  }
0x4c: {  	_ =	sfence.sel $0x180000  }
0x4d: {  	[bflag:$0x0] =	sbarrier.arrive $0xFFFF  }
0x4e: {  	p0 =	sne.s32 s0, $0x0;
	_ =	strace $0x90000050  }
0x4f: {  	s0 =	sadd.s32 @!p0 $0x100000, s2;
	[bflag:$0x2] =	sbarrier.arrive $0xFFFF  }
0x50: {  	[sflag:s0] =	ssyncadd.tile.s32 @!p0 $0x1;
	_ =	shalt  }
.Lfunc_end2:
_tile_overlayer_lowered:
.L_overlay_start_2:
0x51: {  	(tag) =	ssettag $0x2  }
0x52: {  	s0 =	rddreg [dreg:$0x0];
	s2 =	stileid.u32  }
0x53: {  	s1 =	rddreg [dreg:$0x1];
	p0 =	sne.s32 s2, $0x0  }
0x54: {  	s3 =	rddreg [dreg:$0x2];
	[bflag:$0x3] =	sbarrier.arrive $0xFFFF;
	s2 =	simm.s32 @!p0 $0x1C02  }
0x55: {  	[timem:s3], [sflag:s2] =	dma.local @!p0 [hbm:s0], s1  }
0x56: {  	s0 =	simm.s32 @!p0 $0x2  }
0x57: {  	_ =	swait.ge @!p0 [sflag:s0], s1  }
0x58: {  	s1 =	ssub.s32 @!p0 $0x0, s1;
	[sflag:s0] =	ssyncset.done @!p0 $0x0  }
0x59: {  	[sflag:s0] =	ssyncadd.s32 @!p0 s1  }
0x5a: {  	[bflag:$0x3] =	sbarrier.arrive $0xFFFF  }
0x5b: {  	_ =	shalt  }

// kernel: kernel.26.cloned.1.call-start
scs
__scs_entry_jumppad:
0x0: {  	(pc) =	sbr.rel $0x88, $3  }
0x1: {  	(tag) =	ssettag $0x0;
	lr =	simm.s32 $0x1  }
0x2: {  	[smem:$0x3F95] =	sst lr;
	_ =	strace $0xD0000000  }
0x3: {  	_ = 	snop  }
0x4: {  	_ = 	snop  }
0x5: {  	_ = 	snop  }
0x6: {  	_ = 	snop  }
0x7: {  	_ = 	snop  }
__scs_overlays_trampoline_lowered:
0x8: {  	[smem:$0x3FA4] =	sst s0  }
0x9: {  	[smem:$0x3FA5] =	sst s1  }
0xa: {  	[smem:$0x3FA6] =	sst s2  }
0xb: {  	[smem:$0x3FA7] =	sst s3  }
0xc: {  	[smem:$0x3FA8] =	sst s4  }
0xd: {  	[smem:$0x3FA9] =	sst s5  }
0xe: {  	[smem:$0x3FAA] =	sst s6  }
0xf: {  	[smem:$0x3FAB] =	sst s7  }
0x10: {  	[smem:$0x3FAC] =	sst s8  }
0x11: {  	[smem:$0x3FAD] =	sst s9;
	s0 =	simm.s32 @!p0 $0x0  }
0x12: {  	s1 =	sld [smem:$0x3F93];
	s0 =	simm.s32 @p0 $0x1  }
0x13: {  	[smem:$0x3FAE] =	sst s0;
	s0 =	simm.s32 @!p1 $0x0  }
0x14: {  	s2 =	sld [smem:$0x3F92];
	s0 =	simm.s32 @p1 $0x1  }
0x15: {  	[smem:$0x3FAF] =	sst s0;
	s0 =	simm.s32 @!p2 $0x0  }
0x16: {  	s3 =	sld [smem:$0x3FDB];
	s0 =	simm.s32 @p2 $0x1  }
0x17: {  	s4 =	simm.s32 $0x1BF5;
	[smem:$0x3FB1] =	sst s0  }
0x18: {  	s0 =	sld [smem:$0x3F94];
	_ =	swait.ge [sflag:s4], $0x0  }
0x19: {  	s7 =	sld [smem:$0x3F95]  }
0x1a: {  	s8 =	sadd.s32 $0xFFFFE003, lr  }
0x1b: {  	s9 =	sadd.s32 $0xFFFFFEF7, lr;
	s5 =	simm.s32 $0xFFFFFFFF;
	p2 =	slt.u32 s8, $0xFFFFF086  }
0x1c: {  	p1 =	slt.u32 s9, $0xF7A;
	s5 =	simm.s32 @!p2 $0x0  }
0x1d: {  	s5 =	simm.s32 @p1 $0x1;
	p0 =	seq.s32 s7, s2  }
0x1e: {  	s7 =	smul.u32 @!p0 $0xF7A, s2;
	p2 =	seq.s32 @!p0 s5, $0x0  }
0x1f: {  	s9 =	smul.u32 $0xF7A, s1;
	s8 =	simm.s32 @!p0 $0x1BF5;
	p2 =	por !p2, p0  }
0x20: {  	[sflag:s8] =	ssyncset.s32 @!p0 $0xFFFFF086;
	s6 =	sadd.s32 @!p0 s3, s7;
	s7 =	simm.s32 @!p0 $0x108  }
0x21: {  	s3 =	sadd.s32 s3, s9;
	s6 =	sadd.s32 @!p0 $0x88, s6;
	s7 =	simm.s32 @p2 $0x1082  }
0x22: {  	[simem:s7], [sflag:s8] =	dma.local @!p0 [hbm:s6], $0xF7A  }
0x23: {  	s9 =	sor.u32 $0xD0000000, s2;
	s6 =	simm.s32 $0x108;
	_ =	swait.ge @!p0 [sflag:s8], $0x0  }
0x24: {  	s3 =	sadd.s32 $0x88, s3;
	s6 =	simm.s32 @!p1 $0x1082;
	[sflag:s4] =	ssyncset.s32 $0xFFFFF086  }
0x25: {  	[simem:s6], [sflag:s4] =	dma.local [hbm:s3], $0xF7A  }
0x26: {  	[smem:$0x3F95] =	sst s1;
	(tag) =	ssettag s2;
	_ =	strace s9  }
0x27: {  	s1 =	sld [smem:$0x3FA5]  }
0x28: {  	s2 =	sld [smem:$0x3FA6]  }
0x29: {  	s4 =	sld [smem:$0x3FA8]  }
0x2a: {  	p0 =	seq.s32 s5, $0x0;
	s5 =	sld [smem:$0x3FA9]  }
0x2b: {  	s6 =	sld [smem:$0x3FAA]  }
0x2c: {  	s7 =	sld [smem:$0x3FAB]  }
0x2d: {  	s3 =	simm.s32 $0x108;
	s8 =	sld [smem:$0x3FAC]  }
0x2e: {  	s3 =	simm.s32 @!p0 $0x1082;
	s9 =	sld [smem:$0x3FAD]  }
0x2f: {  	lr =	sadd.s32 s0, s3;
	s0 =	sld [smem:$0x3FA4]  }
0x30: {  	s3 =	sld [smem:$0x3FA7]  }
0x31: {  	[smem:$0x3FB0] =	sst s10  }
0x32: {  	s10 =	sld [smem:$0x3FAE];
	_ =	sdelay $0x3  }
0x33: {  	p0 =	seq.s32 s10, $0x1;
	s10 =	sld [smem:$0x3FB0];
	_ =	sdelay $0x3  }
0x34: {  	[smem:$0x3FB0] =	sst s10  }
0x35: {  	s10 =	sld [smem:$0x3FAF];
	_ =	sdelay $0x3  }
0x36: {  	p1 =	seq.s32 s10, $0x1;
	s10 =	sld [smem:$0x3FB0];
	_ =	sdelay $0x3  }
0x37: {  	[smem:$0x3FB0] =	sst s10  }
0x38: {  	s10 =	sld [smem:$0x3FB1]  }
0x39: {  	_ = 	snop;
	(pc) =	sbr.ind lr, $3  }
0x3a: {  	_ = 	snop  }
0x3b: {  	_ = 	snop  }
0x3c: {  	p2 =	seq.s32 s10, $0x1;
	s10 =	sld [smem:$0x3FB0]  }
0x3d: {  	_ =	shalt  }
0x3e: {  	_ =	shalt  }
0x3f: {  	_ =	shalt  }
0x40: {  	_ =	shalt  }
0x41: {  	_ =	shalt  }
0x42: {  	_ =	shalt  }
0x43: {  	_ =	shalt  }
0x44: {  	_ =	shalt  }
0x45: {  	_ =	shalt  }
0x46: {  	_ =	shalt  }
0x47: {  	_ =	shalt  }
0x48: {  	_ =	shalt  }
0x49: {  	_ =	shalt  }
0x4a: {  	_ =	shalt  }
0x4b: {  	_ =	shalt  }
0x4c: {  	_ =	shalt  }
0x4d: {  	_ =	shalt  }
0x4e: {  	_ =	shalt  }
0x4f: {  	_ =	shalt  }
0x50: {  	_ =	shalt  }
0x51: {  	_ =	shalt  }
0x52: {  	_ =	shalt  }
0x53: {  	_ =	shalt  }
0x54: {  	_ =	shalt  }
0x55: {  	_ =	shalt  }
0x56: {  	_ =	shalt  }
0x57: {  	_ =	shalt  }
0x58: {  	_ =	shalt  }
0x59: {  	_ =	shalt  }
0x5a: {  	_ =	shalt  }
0x5b: {  	_ =	shalt  }
0x5c: {  	_ =	shalt  }
0x5d: {  	_ =	shalt  }
0x5e: {  	_ =	shalt  }
0x5f: {  	_ =	shalt  }
0x60: {  	_ =	shalt  }
0x61: {  	_ =	shalt  }
0x62: {  	_ =	shalt  }
0x63: {  	_ =	shalt  }
0x64: {  	_ =	shalt  }
0x65: {  	_ =	shalt  }
0x66: {  	_ =	shalt  }
0x67: {  	_ =	shalt  }
0x68: {  	_ =	shalt  }
0x69: {  	_ =	shalt  }
0x6a: {  	_ =	shalt  }
0x6b: {  	_ =	shalt  }
0x6c: {  	_ =	shalt  }
0x6d: {  	_ =	shalt  }
0x6e: {  	_ =	shalt  }
0x6f: {  	_ =	shalt  }
0x70: {  	_ =	shalt  }
0x71: {  	_ =	shalt  }
0x72: {  	_ =	shalt  }
0x73: {  	_ =	shalt  }
0x74: {  	_ =	shalt  }
0x75: {  	_ =	shalt  }
0x76: {  	_ =	shalt  }
0x77: {  	_ =	shalt  }
0x78: {  	_ =	shalt  }
0x79: {  	_ =	shalt  }
0x7a: {  	_ =	shalt  }
0x7b: {  	_ =	shalt  }
0x7c: {  	_ =	shalt  }
0x7d: {  	_ =	shalt  }
0x7e: {  	_ =	shalt  }
0x7f: {  	_ =	shalt  }
0x80: {  	_ =	shalt  }
0x81: {  	_ =	shalt  }
0x82: {  	_ =	shalt  }
0x83: {  	_ =	shalt  }
0x84: {  	_ =	shalt  }
0x85: {  	_ =	shalt  }
0x86: {  	_ =	shalt  }
0x87: {  	_ =	shalt  }
.Lfunc_end0:
.L_simem_size_0:
called_computation.4_lowered:
.L_overlay_start_0:
0x88: {  	s2 =	sld [smem:$0x3FD9]  }
0x89: {  	s3 =	sld [smem:$0x3FFE];
	_ =	sdelay $0x1  }
0x8a: {  	s1 =	srdreg.scid  }
0x8b: {  	s0 =	sand.u32 $0x1, s1  }
0x8c: {  	s17 =	sshll.u32 s0, $0xA;
	s2 =	sadd.s32 s3, s2  }
0x8d: {  	s2 =	sadd.s32 s2, s17  }
0x8e: {  	[smem:$0x3FBC] =	sst s2  }
0x8f: {  	_ = 	snop  }
0x90: {  	s2 =	sld [smem:$0x3FD0];
	(tm) =	ssettm $0x1  }
0x91: {  	s18 =	sld [smem:$0x3FFB];
	_ =	sdelay $0x3  }
0x92: {  	_ =	strace s18  }
0x93: {  	s3 =	sld [smem:$0x3FFC];
	_ =	sdelay $0x3  }
0x94: {  	_ =	strace s3  }
0x95: {  	s3 =	sld [smem:$0x3FFD];
	_ =	sdelay $0x3  }
0x96: {  	_ =	strace s3  }
0x97: {  	_ =	strace $0x8FFFFFFF  }
0x98: {  	s19 =	sld [smem:$0x3FDB];
	_ =	sdelay $0x1  }
0x99: {  	s4 =	simm.s32 $_scs_section_size  }
0x9a: {  	s5 =	simm.s32 $_size__tile_overlayer_lowered;
	s6 =	simm.s32 $_tile_overlayer_lowered  }
0x9b: {  	s22 =	simm.s32 $0x1BFF;
	s21 =	sshll.u32 s6, $0x1;
	s3 =	sadd.s32 s4, s19  }
0x9c: {  	s7 =	simm.s32 $0x0;
	s20 =	sshll.u32 s5, $0x1;
	s5 =	sadd.s32 s21, s3  }
0x9d: {  	[timem:s7], [sflag:s22] =	dma.local [hbm:s5], s20  }
0x9e: {  	_ =	swait.ge [sflag:s22], s20  }
0x9f: {  	s4 =	ssub.s32 $0x0, s20;
	[sflag:s22] =	ssyncset.done $0x0  }
0xa0: {  	[sflag:s22] =	ssyncadd.s32 s4;
	_ =	sdelay $0x1  }
0xa1: {  	s23 =	simm.s32 $0x1B8B  }
0xa2: {  	_ =	swait.ge [sflag:s23], $0x1  }
0xa3: {  	[sflag:s23] =	ssyncset.done $0x0  }
0xa4: {  	s25 =	simm.s32 $0x1B8E;
	s24 =	sld [smem:$0x3FFE];
	[sflag:s23] =	ssyncadd.s32 $0xFFFFFFFF  }
0xa5: {  	s26 =	simm.s32 $execute0_lowered;
	[smem:$0x3FD2] =	sst s25  }
0xa6: {  	s5 =	sshll.u32 s26, $0x1;
	_ =	strace $0x80000052;
	[dreg:$0x1] =	wrdreg $0xFFFFFFFF  }
0xa7: {  	s28 =	simm.s32 $_size_execute0_lowered;
	s3 =	sadd.s32 s3, s5;
	[dreg:$0x0] =	wrdreg $0x0  }
0xa8: {  	s5 =	sshll.u32 s28, $0x1;
	[dreg:$0x2] =	wrdreg s3  }
0xa9: {  	[dreg:$0x3] =	wrdreg s5  }
0xaa: {  	[dreg:$0x4] =	wrdreg $0xC0  }
0xab: {  	_ =	task [dreg:s7], $0x5FFFF  }
0xac: {  	[dreg:$0x1] =	wrdreg $0xFFFFFFFF  }
0xad: {  	[dreg:$0x0] =	wrdreg $0x60  }
0xae: {  	[dreg:$0x2] =	wrdreg s2  }
0xaf: {  	[dreg:$0x3] =	wrdreg s24  }
0xb0: {  	[dreg:$0x4] =	wrdreg $0x29000  }
0xb1: {  	[dreg:$0x5] =	wrdreg $0x9  }
0xb2: {  	_ =	task.clear_ibuf [dreg:s7], $0x6FFFF;
	_ =	strace $0x90000052  }
0xb3: {  	s29 =	simm.s32 $0x9;
	_ =	strace $0x80000054  }
0xb4: {  	_ =	swait.ge [sflag:s29], $0x1  }
0xb5: {  	[sflag:s29] =	ssyncadd.s32 $0xFFFFFFFF  }
0xb6: {  	_ =	strace $0x90000054  }
0xb7: {  	_ =	sfence  }
0xb8: {  	s30 =	sld [smem:$0x0];
	_ =	sdelay $0x2  }
0xb9: {  	s31 =	sshll.u32 s1, $0xD;
	s1 =	sshrl.u32 s1, $0x2  }
0xba: {  	s3 =	sand.u32 $0x4000, s31;
	s1 =	sadd.s32 s1, s30  }
0xbb: {  	s0 =	sor.u32 s3, s0;
	s1 =	sshll.u32 s1, $0x11  }
0xbc: {  	s0 =	sor.u32 s1, s0  }
0xbd: {  	s0 =	sadd.s32 $0x8F2B, s0  }
0xbe: {  	[sflag:s0] =	ssyncadd.remote.s32 $0x1  }
0xbf: {  	_ =	sfence.sel $0xFFFF  }
0xc0: {  	[dreg:$0x0] =	wrdreg $0xFFFFFFFF;
	(pc) =	sbr.abs _section_cstart, $3  }
0xc1: {  	[dreg:$0x1] =	wrdreg $0xFFFFFFFF  }
0xc2: {  	_ =	task.clear_ibuf [dreg:s7], $0x2FFFF;
	_ =	strace $0x9FFFFFFF  }
0xc3: {  	(tm) =	ssettm $0x7FFFFFFF  }
tec
execute0_lowered:
.L_overlay_start_1:
0x0: {  	(tag) =	ssettag $0x1  }
0x1: {  	s1 =	rddreg [dreg:$0x0]  }
0x2: {  	s0 =	srdreg.scid;
	s6 =	rddreg [dreg:$0x1]  }
0x3: {  	s3 =	rddreg [dreg:$0x2];
	s7 =	sand.u32 $0x1, s0  }
0x4: {  	s0 =	stileid.u32;
	s5 =	smul.u32 $0x27100, s7  }
0x5: {  	s2 =	rddreg [dreg:$0x3];
	s8 =	smul.u32 $0x2710, s0  }
0x6: {  	s4 =	simm.s32 $0x0;
	s14 =	simm.s32 $0x50;
	s9 =	smul.u32 $0x4E2, s0  }
0x7: {  	s15 =	simm.s32 $0x100;
	s16 =	simm.s32 $0x1;
	s28 =	smul.u32 $0x140000, s7  }
0x8: {  	s17 =	simm.s32 $0x0;
	[smem:$0x7FF] =	sst s4;
	s10 =	smul.u32 $0x14000, s0  }
0x9: {  	_ =	strace $0x80000053;
	s29 =	smul.u32 $0x50000, s0;
	s7 =	ssub.s32 $0x2, s7  }
0xa: {  	s31 =	sshll.u32 s0, $0x6;
	s30 =	sshrl.u32 s7, $0x1;
	s5 =	sadd.s32 s8, s5  }
0xb: {  	s9 =	sadd.s32 s9, s6;
	s8 =	sadd.s32 s10, s28;
	s10 =	sshrl.u32 s29, $0x2  }
0xc: {  	s12 =	ssub.s32 s7, s30;
	s5 =	sshrl.u32 s5, $0x3;
	s8 =	sshrl.u32 s8, $0x3  }
0xd: {  	s13 =	sadd.s32 s10, s3;
	s9 =	sadd.s32 $0x3200, s9;
	s11 =	sadd.s32 s5, s6  }
0xe: {  	s5 =	sadd.s32 $0x8200, s6;
	s8 =	sadd.s32 s8, s6;
	s6 =	sor.u32 $0x1C02, s31  }
0xf: {  	s7 =	sadd.s32 $0xAA00, s8;
	s8 =	smax.u32 s12, $0x1;
	s10 =	sadd.s32 $0x5AA00, s11  }
0x10: {  	s11 =	sshrl.u32 s13, $0x3;
	s12 =	simm.s32 $0x2;
	s13 =	simm.s32 $0x80  }
.LBB2_1:
0x11: {  	[spmem:s11], [sflag:s6] =	dma.local [hbm:s5], $0x2800  }
0x12: {  	_ =	swait.ge [sflag:s12], $0x2800  }
0x13: {  	[sflag:s12] =	ssyncset.done $0x0  }
0x14: {  	[sflag:s12] =	ssyncadd.s32 $0xFFFFD800  }
0x15: {  	s18 =	sadd.s32 $0x0, s10;
	[bflag:$0x0] =	sbarrier.arrive $0xFFFF  }
0x16: {  	[tilespmem:s4], [sflag:$0x2] =	stream.linear.gather [hbm4b:s18+s4], $0x50, $0x38;
	[tilespmem:$0x16900] =	vst v63  }
0x17: {  	_ =	swait.ge [sflag:s12], $0x50  }
0x18: {  	[sflag:s12] =	ssyncset.done $0x0  }
0x19: {  	s31 =	sadd.s32 $0x0, s9;
	[sflag:s12] =	ssyncadd.s32 $0xFFFFFFB0  }
0x1a: {  	[tilespmem:s13], [sflag:$0x2] =	stream.linear.gather [hbm4b:s31+s4], $0x50, $0x38;
	[tilespmem:$0x16900] =	vst v63  }
0x1b: {  	_ =	swait.ge [sflag:s12], $0x50  }
0x1c: {  	[sflag:s12] =	ssyncset.done $0x0  }
0x1d: {  	[sflag:s12] =	ssyncadd.s32 $0xFFFFFFB0  }
0x1e: {  	[tilespmem:s15], [sflag:$0x1] =	stream.indirect.gather [hbm4b:s1+s14], $0x80, s4, s14, $0xb8;
	[tilespmem:$0x16900] =	vst v63  }
0x1f: {  	_ =	swait.ge [sflag:s16], $0x2800  }
0x20: {  	[sflag:s16] =	ssyncset.done $0x0  }
0x21: {  	[sflag:s16] =	ssyncadd.s32 $0xFFFFD800  }
0x22: {  	[spmem:s3] =	stream.indirect.scatter.add.f32 [tilespmem:s15], [sflag:$0x2], $0x80, s13, s14, $0xb8;
	[tilespmem:$0x16900] =	vst v63  }
0x23: {  	_ =	swait.ge [sflag:s12], $0x2800  }
0x24: {  	s19 =	simm.s32 $0x14;
	s18 =	simm.s32 $0xA;
	[sflag:s12] =	ssyncset.done $0x0  }
.LBB2_2:
0x25: {  	s20 =	sadd.s32 s18, s10  }
0x26: {  	[sflag:s12] =	ssyncadd.s32 $0xFFFFD800;
	s21 =	smov.u32 s19;
	s22 =	sadd.s32 $0xA, s19  }
0x27: {  	[tilespmem:s4], [sflag:$0x2] =	stream.linear.gather [hbm4b:s20+s4], $0x50, $0x38;
	[tilespmem:$0x16900] =	vst v63  }
0x28: {  	p0 =	sne.s32 s19, $0x4D8;
	_ =	swait.ge [sflag:s12], $0x50  }
0x29: {  	[sflag:s12] =	ssyncset.done $0x0  }
0x2a: {  	s19 =	sadd.s32 s18, s9;
	s18 =	smov.u32 s21;
	[sflag:s12] =	ssyncadd.s32 $0xFFFFFFB0  }
0x2b: {  	[tilespmem:s13], [sflag:$0x2] =	stream.linear.gather [hbm4b:s19+s4], $0x50, $0x38;
	[tilespmem:$0x16900] =	vst v63  }
0x2c: {  	_ =	swait.ge [sflag:s12], $0x50  }
0x2d: {  	[sflag:s12] =	ssyncset.done $0x0  }
0x2e: {  	[sflag:s12] =	ssyncadd.s32 $0xFFFFFFB0  }
0x2f: {  	[tilespmem:s15], [sflag:$0x1] =	stream.indirect.gather [hbm4b:s1+s14], $0x80, s4, s14, $0xb8;
	[tilespmem:$0x16900] =	vst v63  }
0x30: {  	_ =	swait.ge [sflag:s16], $0x2800  }
.Ltmp0:
0x31: {  	[sflag:s16] =	ssyncset.done $0x0;
	(pc) =	sbr.rel @p0 .LBB2_2-.Ltmp0, $4  }
0x32: {  	[sflag:s16] =	ssyncadd.s32 $0xFFFFD800  }
0x33: {  	[spmem:s3] =	stream.indirect.scatter.add.f32 [tilespmem:s15], [sflag:$0x2], $0x80, s13, s14, $0xb8;
	[tilespmem:$0x16900] =	vst v63  }
0x34: {  	_ =	swait.ge [sflag:s12], $0x2800  }
0x35: {  	s19 =	smov.u32 s22;
	[sflag:s12] =	ssyncset.done $0x0  }
0x36: {  	s19 =	sadd.s32 s18, s10;
	[sflag:s12] =	ssyncadd.s32 $0xFFFFD800  }
0x37: {  	[tilespmem:s4], [sflag:$0x2] =	stream.linear.gather [hbm4b:s19+s4], $0x50, $0x38;
	[tilespmem:$0x16900] =	vst v63  }
0x38: {  	_ =	swait.ge [sflag:s12], $0x50  }
0x39: {  	[sflag:s12] =	ssyncset.done $0x0  }
0x3a: {  	s31 =	sadd.s32 s18, s9;
	[sflag:s12] =	ssyncadd.s32 $0xFFFFFFB0  }
0x3b: {  	[tilespmem:s13], [sflag:$0x2] =	stream.linear.gather [hbm4b:s31+s4], $0x50, $0x38;
	[tilespmem:$0x16900] =	vst v63  }
0x3c: {  	_ =	swait.ge [sflag:s12], $0x50  }
0x3d: {  	[sflag:s12] =	ssyncset.done $0x0  }
0x3e: {  	[sflag:s12] =	ssyncadd.s32 $0xFFFFFFB0  }
0x3f: {  	[tilespmem:s15], [sflag:$0x1] =	stream.indirect.gather [hbm4b:s1+s14], $0x80, s4, s14, $0xb8;
	[tilespmem:$0x16900] =	vst v63  }
0x40: {  	_ =	swait.ge [sflag:s16], $0x2800  }
0x41: {  	[sflag:s16] =	ssyncset.done $0x0  }
0x42: {  	[sflag:s16] =	ssyncadd.s32 $0xFFFFD800  }
0x43: {  	[spmem:s3] =	stream.indirect.scatter.add.f32 [tilespmem:s15], [sflag:$0x2], $0x80, s13, s14, $0xb8;
	[tilespmem:$0x16900] =	vst v63  }
0x44: {  	_ =	swait.ge [sflag:s12], $0x2800  }
0x45: {  	s17 =	sadd.s32 $0x1, s17;
	[sflag:s12] =	ssyncset.done $0x0  }
0x46: {  	p0 =	sne.s32 s17, s8;
	[sflag:s12] =	ssyncadd.s32 $0xFFFFD800  }
.Ltmp1:
0x47: {  	[bflag:$0x0] =	sbarrier.arrive $0xFFFF;
	(pc) =	sbr.rel @p0 .LBB2_1-.Ltmp1, $4  }
0x48: {  	[hbm:s7], [sflag:s6] =	dma.local [spmem:s11], $0x2800  }
0x49: {  	_ =	swait.ge [sflag:s12], $0x2800  }
0x4a: {  	[sflag:s12] =	ssyncset.done $0x0  }
0x4b: {  	[sflag:s12] =	ssyncadd.s32 $0xFFFFD800  }
0x4c: {  	_ =	sfence.sel $0x180000  }
0x4d: {  	[bflag:$0x0] =	sbarrier.arrive $0xFFFF  }
0x4e: {  	p0 =	sne.s32 s0, $0x0;
	_ =	strace $0x90000053  }
0x4f: {  	s0 =	sadd.s32 @!p0 $0x100000, s2;
	[bflag:$0x2] =	sbarrier.arrive $0xFFFF  }
0x50: {  	[sflag:s0] =	ssyncadd.tile.s32 @!p0 $0x1;
	_ =	shalt  }
.Lfunc_end2:
_tile_overlayer_lowered:
.L_overlay_start_2:
0x51: {  	(tag) =	ssettag $0x2  }
0x52: {  	s0 =	rddreg [dreg:$0x0];
	s2 =	stileid.u32  }
0x53: {  	s1 =	rddreg [dreg:$0x1];
	p0 =	sne.s32 s2, $0x0  }
0x54: {  	s3 =	rddreg [dreg:$0x2];
	[bflag:$0x3] =	sbarrier.arrive $0xFFFF;
	s2 =	simm.s32 @!p0 $0x1C02  }
0x55: {  	[timem:s3], [sflag:s2] =	dma.local @!p0 [hbm:s0], s1  }
0x56: {  	s0 =	simm.s32 @!p0 $0x2  }
0x57: {  	_ =	swait.ge @!p0 [sflag:s0], s1  }
0x58: {  	s1 =	ssub.s32 @!p0 $0x0, s1;
	[sflag:s0] =	ssyncset.done @!p0 $0x0  }
0x59: {  	[sflag:s0] =	ssyncadd.s32 @!p0 s1  }
0x5a: {  	[bflag:$0x3] =	sbarrier.arrive $0xFFFF  }
0x5b: {  	_ =	shalt  }

// kernel: kernel.29.cloned.1.call-start
scs
__scs_entry_jumppad:
0x0: {  	(pc) =	sbr.rel $0x88, $3  }
0x1: {  	(tag) =	ssettag $0x0;
	lr =	simm.s32 $0x1  }
0x2: {  	[smem:$0x3F95] =	sst lr;
	_ =	strace $0xD0000000  }
0x3: {  	_ = 	snop  }
0x4: {  	_ = 	snop  }
0x5: {  	_ = 	snop  }
0x6: {  	_ = 	snop  }
0x7: {  	_ = 	snop  }
__scs_overlays_trampoline_lowered:
0x8: {  	[smem:$0x3FA4] =	sst s0  }
0x9: {  	[smem:$0x3FA5] =	sst s1  }
0xa: {  	[smem:$0x3FA6] =	sst s2  }
0xb: {  	[smem:$0x3FA7] =	sst s3  }
0xc: {  	[smem:$0x3FA8] =	sst s4  }
0xd: {  	[smem:$0x3FA9] =	sst s5  }
0xe: {  	[smem:$0x3FAA] =	sst s6  }
0xf: {  	[smem:$0x3FAB] =	sst s7  }
0x10: {  	[smem:$0x3FAC] =	sst s8  }
0x11: {  	[smem:$0x3FAD] =	sst s9;
	s0 =	simm.s32 @!p0 $0x0  }
0x12: {  	s1 =	sld [smem:$0x3F93];
	s0 =	simm.s32 @p0 $0x1  }
0x13: {  	[smem:$0x3FAE] =	sst s0;
	s0 =	simm.s32 @!p1 $0x0  }
0x14: {  	s2 =	sld [smem:$0x3F92];
	s0 =	simm.s32 @p1 $0x1  }
0x15: {  	[smem:$0x3FAF] =	sst s0;
	s0 =	simm.s32 @!p2 $0x0  }
0x16: {  	s3 =	sld [smem:$0x3FDB];
	s0 =	simm.s32 @p2 $0x1  }
0x17: {  	s4 =	simm.s32 $0x1BF5;
	[smem:$0x3FB1] =	sst s0  }
0x18: {  	s0 =	sld [smem:$0x3F94];
	_ =	swait.ge [sflag:s4], $0x0  }
0x19: {  	s7 =	sld [smem:$0x3F95]  }
0x1a: {  	s8 =	sadd.s32 $0xFFFFE003, lr  }
0x1b: {  	s9 =	sadd.s32 $0xFFFFFEF7, lr;
	s5 =	simm.s32 $0xFFFFFFFF;
	p2 =	slt.u32 s8, $0xFFFFF086  }
0x1c: {  	p1 =	slt.u32 s9, $0xF7A;
	s5 =	simm.s32 @!p2 $0x0  }
0x1d: {  	s5 =	simm.s32 @p1 $0x1;
	p0 =	seq.s32 s7, s2  }
0x1e: {  	s7 =	smul.u32 @!p0 $0xF7A, s2;
	p2 =	seq.s32 @!p0 s5, $0x0  }
0x1f: {  	s9 =	smul.u32 $0xF7A, s1;
	s8 =	simm.s32 @!p0 $0x1BF5;
	p2 =	por !p2, p0  }
0x20: {  	[sflag:s8] =	ssyncset.s32 @!p0 $0xFFFFF086;
	s6 =	sadd.s32 @!p0 s3, s7;
	s7 =	simm.s32 @!p0 $0x108  }
0x21: {  	s3 =	sadd.s32 s3, s9;
	s6 =	sadd.s32 @!p0 $0x88, s6;
	s7 =	simm.s32 @p2 $0x1082  }
0x22: {  	[simem:s7], [sflag:s8] =	dma.local @!p0 [hbm:s6], $0xF7A  }
0x23: {  	s9 =	sor.u32 $0xD0000000, s2;
	s6 =	simm.s32 $0x108;
	_ =	swait.ge @!p0 [sflag:s8], $0x0  }
0x24: {  	s3 =	sadd.s32 $0x88, s3;
	s6 =	simm.s32 @!p1 $0x1082;
	[sflag:s4] =	ssyncset.s32 $0xFFFFF086  }
0x25: {  	[simem:s6], [sflag:s4] =	dma.local [hbm:s3], $0xF7A  }
0x26: {  	[smem:$0x3F95] =	sst s1;
	(tag) =	ssettag s2;
	_ =	strace s9  }
0x27: {  	s1 =	sld [smem:$0x3FA5]  }
0x28: {  	s2 =	sld [smem:$0x3FA6]  }
0x29: {  	s4 =	sld [smem:$0x3FA8]  }
0x2a: {  	p0 =	seq.s32 s5, $0x0;
	s5 =	sld [smem:$0x3FA9]  }
0x2b: {  	s6 =	sld [smem:$0x3FAA]  }
0x2c: {  	s7 =	sld [smem:$0x3FAB]  }
0x2d: {  	s3 =	simm.s32 $0x108;
	s8 =	sld [smem:$0x3FAC]  }
0x2e: {  	s3 =	simm.s32 @!p0 $0x1082;
	s9 =	sld [smem:$0x3FAD]  }
0x2f: {  	lr =	sadd.s32 s0, s3;
	s0 =	sld [smem:$0x3FA4]  }
0x30: {  	s3 =	sld [smem:$0x3FA7]  }
0x31: {  	[smem:$0x3FB0] =	sst s10  }
0x32: {  	s10 =	sld [smem:$0x3FAE];
	_ =	sdelay $0x3  }
0x33: {  	p0 =	seq.s32 s10, $0x1;
	s10 =	sld [smem:$0x3FB0];
	_ =	sdelay $0x3  }
0x34: {  	[smem:$0x3FB0] =	sst s10  }
0x35: {  	s10 =	sld [smem:$0x3FAF];
	_ =	sdelay $0x3  }
0x36: {  	p1 =	seq.s32 s10, $0x1;
	s10 =	sld [smem:$0x3FB0];
	_ =	sdelay $0x3  }
0x37: {  	[smem:$0x3FB0] =	sst s10  }
0x38: {  	s10 =	sld [smem:$0x3FB1]  }
0x39: {  	_ = 	snop;
	(pc) =	sbr.ind lr, $3  }
0x3a: {  	_ = 	snop  }
0x3b: {  	_ = 	snop  }
0x3c: {  	p2 =	seq.s32 s10, $0x1;
	s10 =	sld [smem:$0x3FB0]  }
0x3d: {  	_ =	shalt  }
0x3e: {  	_ =	shalt  }
0x3f: {  	_ =	shalt  }
0x40: {  	_ =	shalt  }
0x41: {  	_ =	shalt  }
0x42: {  	_ =	shalt  }
0x43: {  	_ =	shalt  }
0x44: {  	_ =	shalt  }
0x45: {  	_ =	shalt  }
0x46: {  	_ =	shalt  }
0x47: {  	_ =	shalt  }
0x48: {  	_ =	shalt  }
0x49: {  	_ =	shalt  }
0x4a: {  	_ =	shalt  }
0x4b: {  	_ =	shalt  }
0x4c: {  	_ =	shalt  }
0x4d: {  	_ =	shalt  }
0x4e: {  	_ =	shalt  }
0x4f: {  	_ =	shalt  }
0x50: {  	_ =	shalt  }
0x51: {  	_ =	shalt  }
0x52: {  	_ =	shalt  }
0x53: {  	_ =	shalt  }
0x54: {  	_ =	shalt  }
0x55: {  	_ =	shalt  }
0x56: {  	_ =	shalt  }
0x57: {  	_ =	shalt  }
0x58: {  	_ =	shalt  }
0x59: {  	_ =	shalt  }
0x5a: {  	_ =	shalt  }
0x5b: {  	_ =	shalt  }
0x5c: {  	_ =	shalt  }
0x5d: {  	_ =	shalt  }
0x5e: {  	_ =	shalt  }
0x5f: {  	_ =	shalt  }
0x60: {  	_ =	shalt  }
0x61: {  	_ =	shalt  }
0x62: {  	_ =	shalt  }
0x63: {  	_ =	shalt  }
0x64: {  	_ =	shalt  }
0x65: {  	_ =	shalt  }
0x66: {  	_ =	shalt  }
0x67: {  	_ =	shalt  }
0x68: {  	_ =	shalt  }
0x69: {  	_ =	shalt  }
0x6a: {  	_ =	shalt  }
0x6b: {  	_ =	shalt  }
0x6c: {  	_ =	shalt  }
0x6d: {  	_ =	shalt  }
0x6e: {  	_ =	shalt  }
0x6f: {  	_ =	shalt  }
0x70: {  	_ =	shalt  }
0x71: {  	_ =	shalt  }
0x72: {  	_ =	shalt  }
0x73: {  	_ =	shalt  }
0x74: {  	_ =	shalt  }
0x75: {  	_ =	shalt  }
0x76: {  	_ =	shalt  }
0x77: {  	_ =	shalt  }
0x78: {  	_ =	shalt  }
0x79: {  	_ =	shalt  }
0x7a: {  	_ =	shalt  }
0x7b: {  	_ =	shalt  }
0x7c: {  	_ =	shalt  }
0x7d: {  	_ =	shalt  }
0x7e: {  	_ =	shalt  }
0x7f: {  	_ =	shalt  }
0x80: {  	_ =	shalt  }
0x81: {  	_ =	shalt  }
0x82: {  	_ =	shalt  }
0x83: {  	_ =	shalt  }
0x84: {  	_ =	shalt  }
0x85: {  	_ =	shalt  }
0x86: {  	_ =	shalt  }
0x87: {  	_ =	shalt  }
.Lfunc_end0:
.L_simem_size_0:
called_computation.5_lowered:
.L_overlay_start_0:
0x88: {  	s2 =	sld [smem:$0x3FD9]  }
0x89: {  	s3 =	sld [smem:$0x3FFE];
	_ =	sdelay $0x1  }
0x8a: {  	s1 =	srdreg.scid  }
0x8b: {  	s0 =	sand.u32 $0x1, s1  }
0x8c: {  	s17 =	sshll.u32 s0, $0xA;
	s2 =	sadd.s32 s3, s2  }
0x8d: {  	s2 =	sadd.s32 s2, s17  }
0x8e: {  	[smem:$0x3FBC] =	sst s2  }
0x8f: {  	_ = 	snop  }
0x90: {  	s2 =	sld [smem:$0x3FD0];
	(tm) =	ssettm $0x1  }
0x91: {  	s18 =	sld [smem:$0x3FFB];
	_ =	sdelay $0x3  }
0x92: {  	_ =	strace s18  }
0x93: {  	s3 =	sld [smem:$0x3FFC];
	_ =	sdelay $0x3  }
0x94: {  	_ =	strace s3  }
0x95: {  	s3 =	sld [smem:$0x3FFD];
	_ =	sdelay $0x3  }
0x96: {  	_ =	strace s3  }
0x97: {  	_ =	strace $0x8FFFFFFF  }
0x98: {  	s19 =	sld [smem:$0x3FDB];
	_ =	sdelay $0x1  }
0x99: {  	s4 =	simm.s32 $_scs_section_size  }
0x9a: {  	s5 =	simm.s32 $_size__tile_overlayer_lowered;
	s6 =	simm.s32 $_tile_overlayer_lowered  }
0x9b: {  	s22 =	simm.s32 $0x1BFF;
	s21 =	sshll.u32 s6, $0x1;
	s3 =	sadd.s32 s4, s19  }
0x9c: {  	s7 =	simm.s32 $0x0;
	s20 =	sshll.u32 s5, $0x1;
	s5 =	sadd.s32 s21, s3  }
0x9d: {  	[timem:s7], [sflag:s22] =	dma.local [hbm:s5], s20  }
0x9e: {  	_ =	swait.ge [sflag:s22], s20  }
0x9f: {  	s4 =	ssub.s32 $0x0, s20;
	[sflag:s22] =	ssyncset.done $0x0  }
0xa0: {  	[sflag:s22] =	ssyncadd.s32 s4;
	_ =	sdelay $0x1  }
0xa1: {  	s23 =	simm.s32 $0x1B8B  }
0xa2: {  	_ =	swait.ge [sflag:s23], $0x1  }
0xa3: {  	[sflag:s23] =	ssyncset.done $0x0  }
0xa4: {  	s25 =	simm.s32 $0x1B8E;
	s24 =	sld [smem:$0x3FFE];
	[sflag:s23] =	ssyncadd.s32 $0xFFFFFFFF  }
0xa5: {  	s26 =	simm.s32 $execute0_lowered;
	[smem:$0x3FD2] =	sst s25  }
0xa6: {  	s5 =	sshll.u32 s26, $0x1;
	_ =	strace $0x80000055;
	[dreg:$0x1] =	wrdreg $0xFFFFFFFF  }
0xa7: {  	s28 =	simm.s32 $_size_execute0_lowered;
	s3 =	sadd.s32 s3, s5;
	[dreg:$0x0] =	wrdreg $0x0  }
0xa8: {  	s5 =	sshll.u32 s28, $0x1;
	[dreg:$0x2] =	wrdreg s3  }
0xa9: {  	[dreg:$0x3] =	wrdreg s5  }
0xaa: {  	[dreg:$0x4] =	wrdreg $0xC0  }
0xab: {  	_ =	task [dreg:s7], $0x5FFFF  }
0xac: {  	[dreg:$0x1] =	wrdreg $0xFFFFFFFF  }
0xad: {  	[dreg:$0x0] =	wrdreg $0x60  }
0xae: {  	[dreg:$0x2] =	wrdreg s2  }
0xaf: {  	[dreg:$0x3] =	wrdreg s24  }
0xb0: {  	[dreg:$0x4] =	wrdreg $0x29000  }
0xb1: {  	[dreg:$0x5] =	wrdreg $0x9  }
0xb2: {  	_ =	task.clear_ibuf [dreg:s7], $0x6FFFF;
	_ =	strace $0x90000055  }
0xb3: {  	s29 =	simm.s32 $0x9;
	_ =	strace $0x80000057  }
0xb4: {  	_ =	swait.ge [sflag:s29], $0x1  }
0xb5: {  	[sflag:s29] =	ssyncadd.s32 $0xFFFFFFFF  }
0xb6: {  	_ =	strace $0x90000057  }
0xb7: {  	_ =	sfence  }
0xb8: {  	s30 =	sld [smem:$0x0];
	_ =	sdelay $0x2  }
0xb9: {  	s31 =	sshll.u32 s1, $0xD;
	s1 =	sshrl.u32 s1, $0x2  }
0xba: {  	s3 =	sand.u32 $0x4000, s31;
	s1 =	sadd.s32 s1, s30  }
0xbb: {  	s0 =	sor.u32 s3, s0;
	s1 =	sshll.u32 s1, $0x11  }
0xbc: {  	s0 =	sor.u32 s1, s0  }
0xbd: {  	s0 =	sadd.s32 $0x8F2B, s0  }
0xbe: {  	[sflag:s0] =	ssyncadd.remote.s32 $0x1  }
0xbf: {  	_ =	sfence.sel $0xFFFF  }
0xc0: {  	[dreg:$0x0] =	wrdreg $0xFFFFFFFF;
	(pc) =	sbr.abs _section_cstart, $3  }
0xc1: {  	[dreg:$0x1] =	wrdreg $0xFFFFFFFF  }
0xc2: {  	_ =	task.clear_ibuf [dreg:s7], $0x2FFFF;
	_ =	strace $0x9FFFFFFF  }
0xc3: {  	(tm) =	ssettm $0x7FFFFFFF  }
tec
execute0_lowered:
.L_overlay_start_1:
0x0: {  	(tag) =	ssettag $0x1  }
0x1: {  	s1 =	rddreg [dreg:$0x0]  }
0x2: {  	s0 =	srdreg.scid;
	s6 =	rddreg [dreg:$0x1]  }
0x3: {  	s3 =	rddreg [dreg:$0x2];
	s7 =	sand.u32 $0x1, s0  }
0x4: {  	s0 =	stileid.u32;
	s5 =	smul.u32 $0x27100, s7  }
0x5: {  	s2 =	rddreg [dreg:$0x3];
	s8 =	smul.u32 $0x2710, s0  }
0x6: {  	s4 =	simm.s32 $0x0;
	s14 =	simm.s32 $0x50;
	s9 =	smul.u32 $0x4E2, s0  }
0x7: {  	s15 =	simm.s32 $0x100;
	s16 =	simm.s32 $0x1;
	s28 =	smul.u32 $0x140000, s7  }
0x8: {  	s17 =	simm.s32 $0x0;
	[smem:$0x7FF] =	sst s4;
	s10 =	smul.u32 $0x14000, s0  }
0x9: {  	_ =	strace $0x80000056;
	s29 =	smul.u32 $0x50000, s0;
	s7 =	ssub.s32 $0x2, s7  }
0xa: {  	s31 =	sshll.u32 s0, $0x6;
	s30 =	sshrl.u32 s7, $0x1;
	s5 =	sadd.s32 s8, s5  }
0xb: {  	s9 =	sadd.s32 s9, s6;
	s8 =	sadd.s32 s10, s28;
	s10 =	sshrl.u32 s29, $0x2  }
0xc: {  	s12 =	ssub.s32 s7, s30;
	s5 =	sshrl.u32 s5, $0x3;
	s8 =	sshrl.u32 s8, $0x3  }
0xd: {  	s13 =	sadd.s32 s10, s3;
	s9 =	sadd.s32 $0x3200, s9;
	s11 =	sadd.s32 s5, s6  }
0xe: {  	s5 =	sadd.s32 $0x8200, s6;
	s8 =	sadd.s32 s8, s6;
	s6 =	sor.u32 $0x1C02, s31  }
0xf: {  	s7 =	sadd.s32 $0xAA00, s8;
	s8 =	smax.u32 s12, $0x1;
	s10 =	sadd.s32 $0x5AA00, s11  }
0x10: {  	s11 =	sshrl.u32 s13, $0x3;
	s12 =	simm.s32 $0x2;
	s13 =	simm.s32 $0x80  }
.LBB2_1:
0x11: {  	[spmem:s11], [sflag:s6] =	dma.local [hbm:s5], $0x2800  }
0x12: {  	_ =	swait.ge [sflag:s12], $0x2800  }
0x13: {  	[sflag:s12] =	ssyncset.done $0x0  }
0x14: {  	[sflag:s12] =	ssyncadd.s32 $0xFFFFD800  }
0x15: {  	s18 =	sadd.s32 $0x0, s10;
	[bflag:$0x0] =	sbarrier.arrive $0xFFFF  }
0x16: {  	[tilespmem:s4], [sflag:$0x2] =	stream.linear.gather [hbm4b:s18+s4], $0x50, $0x38;
	[tilespmem:$0x16900] =	vst v63  }
0x17: {  	_ =	swait.ge [sflag:s12], $0x50  }
0x18: {  	[sflag:s12] =	ssyncset.done $0x0  }
0x19: {  	s31 =	sadd.s32 $0x0, s9;
	[sflag:s12] =	ssyncadd.s32 $0xFFFFFFB0  }
0x1a: {  	[tilespmem:s13], [sflag:$0x2] =	stream.linear.gather [hbm4b:s31+s4], $0x50, $0x38;
	[tilespmem:$0x16900] =	vst v63  }
0x1b: {  	_ =	swait.ge [sflag:s12], $0x50  }
0x1c: {  	[sflag:s12] =	ssyncset.done $0x0  }
0x1d: {  	[sflag:s12] =	ssyncadd.s32 $0xFFFFFFB0  }
0x1e: {  	[tilespmem:s15], [sflag:$0x1] =	stream.indirect.gather [hbm4b:s1+s14], $0x80, s4, s14, $0xb8;
	[tilespmem:$0x16900] =	vst v63  }
0x1f: {  	_ =	swait.ge [sflag:s16], $0x2800  }
0x20: {  	[sflag:s16] =	ssyncset.done $0x0  }
0x21: {  	[sflag:s16] =	ssyncadd.s32 $0xFFFFD800  }
0x22: {  	[spmem:s3] =	stream.indirect.scatter.add.f32 [tilespmem:s15], [sflag:$0x2], $0x80, s13, s14, $0xb8;
	[tilespmem:$0x16900] =	vst v63  }
0x23: {  	_ =	swait.ge [sflag:s12], $0x2800  }
0x24: {  	s19 =	simm.s32 $0x14;
	s18 =	simm.s32 $0xA;
	[sflag:s12] =	ssyncset.done $0x0  }
.LBB2_2:
0x25: {  	s20 =	sadd.s32 s18, s10  }
0x26: {  	[sflag:s12] =	ssyncadd.s32 $0xFFFFD800;
	s21 =	smov.u32 s19;
	s22 =	sadd.s32 $0xA, s19  }
0x27: {  	[tilespmem:s4], [sflag:$0x2] =	stream.linear.gather [hbm4b:s20+s4], $0x50, $0x38;
	[tilespmem:$0x16900] =	vst v63  }
0x28: {  	p0 =	sne.s32 s19, $0x4D8;
	_ =	swait.ge [sflag:s12], $0x50  }
0x29: {  	[sflag:s12] =	ssyncset.done $0x0  }
0x2a: {  	s19 =	sadd.s32 s18, s9;
	s18 =	smov.u32 s21;
	[sflag:s12] =	ssyncadd.s32 $0xFFFFFFB0  }
0x2b: {  	[tilespmem:s13], [sflag:$0x2] =	stream.linear.gather [hbm4b:s19+s4], $0x50, $0x38;
	[tilespmem:$0x16900] =	vst v63  }
0x2c: {  	_ =	swait.ge [sflag:s12], $0x50  }
0x2d: {  	[sflag:s12] =	ssyncset.done $0x0  }
0x2e: {  	[sflag:s12] =	ssyncadd.s32 $0xFFFFFFB0  }
0x2f: {  	[tilespmem:s15], [sflag:$0x1] =	stream.indirect.gather [hbm4b:s1+s14], $0x80, s4, s14, $0xb8;
	[tilespmem:$0x16900] =	vst v63  }
0x30: {  	_ =	swait.ge [sflag:s16], $0x2800  }
.Ltmp0:
0x31: {  	[sflag:s16] =	ssyncset.done $0x0;
	(pc) =	sbr.rel @p0 .LBB2_2-.Ltmp0, $4  }
0x32: {  	[sflag:s16] =	ssyncadd.s32 $0xFFFFD800  }
0x33: {  	[spmem:s3] =	stream.indirect.scatter.add.f32 [tilespmem:s15], [sflag:$0x2], $0x80, s13, s14, $0xb8;
	[tilespmem:$0x16900] =	vst v63  }
0x34: {  	_ =	swait.ge [sflag:s12], $0x2800  }
0x35: {  	s19 =	smov.u32 s22;
	[sflag:s12] =	ssyncset.done $0x0  }
0x36: {  	s19 =	sadd.s32 s18, s10;
	[sflag:s12] =	ssyncadd.s32 $0xFFFFD800  }
0x37: {  	[tilespmem:s4], [sflag:$0x2] =	stream.linear.gather [hbm4b:s19+s4], $0x50, $0x38;
	[tilespmem:$0x16900] =	vst v63  }
0x38: {  	_ =	swait.ge [sflag:s12], $0x50  }
0x39: {  	[sflag:s12] =	ssyncset.done $0x0  }
0x3a: {  	s31 =	sadd.s32 s18, s9;
	[sflag:s12] =	ssyncadd.s32 $0xFFFFFFB0  }
0x3b: {  	[tilespmem:s13], [sflag:$0x2] =	stream.linear.gather [hbm4b:s31+s4], $0x50, $0x38;
	[tilespmem:$0x16900] =	vst v63  }
0x3c: {  	_ =	swait.ge [sflag:s12], $0x50  }
0x3d: {  	[sflag:s12] =	ssyncset.done $0x0  }
0x3e: {  	[sflag:s12] =	ssyncadd.s32 $0xFFFFFFB0  }
0x3f: {  	[tilespmem:s15], [sflag:$0x1] =	stream.indirect.gather [hbm4b:s1+s14], $0x80, s4, s14, $0xb8;
	[tilespmem:$0x16900] =	vst v63  }
0x40: {  	_ =	swait.ge [sflag:s16], $0x2800  }
0x41: {  	[sflag:s16] =	ssyncset.done $0x0  }
0x42: {  	[sflag:s16] =	ssyncadd.s32 $0xFFFFD800  }
0x43: {  	[spmem:s3] =	stream.indirect.scatter.add.f32 [tilespmem:s15], [sflag:$0x2], $0x80, s13, s14, $0xb8;
	[tilespmem:$0x16900] =	vst v63  }
0x44: {  	_ =	swait.ge [sflag:s12], $0x2800  }
0x45: {  	s17 =	sadd.s32 $0x1, s17;
	[sflag:s12] =	ssyncset.done $0x0  }
0x46: {  	p0 =	sne.s32 s17, s8;
	[sflag:s12] =	ssyncadd.s32 $0xFFFFD800  }
.Ltmp1:
0x47: {  	[bflag:$0x0] =	sbarrier.arrive $0xFFFF;
	(pc) =	sbr.rel @p0 .LBB2_1-.Ltmp1, $4  }
0x48: {  	[hbm:s7], [sflag:s6] =	dma.local [spmem:s11], $0x2800  }
0x49: {  	_ =	swait.ge [sflag:s12], $0x2800  }
0x4a: {  	[sflag:s12] =	ssyncset.done $0x0  }
0x4b: {  	[sflag:s12] =	ssyncadd.s32 $0xFFFFD800  }
0x4c: {  	_ =	sfence.sel $0x180000  }
0x4d: {  	[bflag:$0x0] =	sbarrier.arrive $0xFFFF  }
0x4e: {  	p0 =	sne.s32 s0, $0x0;
	_ =	strace $0x90000056  }
0x4f: {  	s0 =	sadd.s32 @!p0 $0x100000, s2;
	[bflag:$0x2] =	sbarrier.arrive $0xFFFF  }
0x50: {  	[sflag:s0] =	ssyncadd.tile.s32 @!p0 $0x1;
	_ =	shalt  }
.Lfunc_end2:
_tile_overlayer_lowered:
.L_overlay_start_2:
0x51: {  	(tag) =	ssettag $0x2  }
0x52: {  	s0 =	rddreg [dreg:$0x0];
	s2 =	stileid.u32  }
0x53: {  	s1 =	rddreg [dreg:$0x1];
	p0 =	sne.s32 s2, $0x0  }
0x54: {  	s3 =	rddreg [dreg:$0x2];
	[bflag:$0x3] =	sbarrier.arrive $0xFFFF;
	s2 =	simm.s32 @!p0 $0x1C02  }
0x55: {  	[timem:s3], [sflag:s2] =	dma.local @!p0 [hbm:s0], s1  }
0x56: {  	s0 =	simm.s32 @!p0 $0x2  }
0x57: {  	_ =	swait.ge @!p0 [sflag:s0], s1  }
0x58: {  	s1 =	ssub.s32 @!p0 $0x0, s1;
	[sflag:s0] =	ssyncset.done @!p0 $0x0  }
0x59: {  	[sflag:s0] =	ssyncadd.s32 @!p0 s1  }
0x5a: {  	[bflag:$0x3] =	sbarrier.arrive $0xFFFF  }
0x5b: {  	_ =	shalt  }

</sc_bundles>
